<compile_context>
chip_gen: v7x
topology: tpu7x:2x2x1
jax: 0.10.2.dev20260603
libtpu: 0.0.44.dev20260713+nightly
codegen_flags: <defaults>
</compile_context>

<pallas_src>
import functools
import jax
import jax.numpy as jnp
from jax import lax
from jax.experimental import pallas as pl
from jax.experimental.pallas import tpu as pltpu
from jax.experimental.pallas import tpu_sc as plsc

B = 16384
ND = 13
NF = 26
D = 32
V = 100001
NROW = 39

WV = 6272
VFULL = 99968
WLAST = VFULL - 15 * WV
NBT = 128
NSLAB = NF * 4
PER_SC = NSLAB // 2
ROUNDS = PER_SC // 2
DCHUNK = 2
NDC = (ND * 4) * (NBT // DCHUNK)
VPAD = VFULL + 128


def _sc_assemble(tabT, idx3, dense5, tail):
    mesh = plsc.VectorSubcoreMesh(core_axis_name="c", subcore_axis_name="s")

    @functools.partial(
        pl.kernel,
        out_type=jax.ShapeDtypeStruct((NROW, 4, NBT, 8, 128), jnp.float32),
        mesh=mesh,
        scratch_types=[
            pltpu.VMEM((VPAD,), jnp.float32),
            pltpu.VMEM((32, 128), jnp.int32),
            pltpu.VMEM((32, 128), jnp.float32),
            pltpu.VMEM((DCHUNK, 8, 128), jnp.float32),
            pltpu.VMEM((8, 128), jnp.float32),
            pltpu.VMEM_SHARED((2, 2, 8, WV), jnp.float32),
            pltpu.VMEM_SHARED((2, 32, 8, 128), jnp.float32),
        ],
        compiler_params=pltpu.CompilerParams(
            use_tc_tiling_on_sc=True, needs_layout_passes=False
        ),
    )
    def k(tab_h, idx_h, dens_h, tail_h, out_h,
          rowbuf, idxc, outc, dbuf, tailbuf, spm_in, spm_out):
        c = lax.axis_index("c")
        s = lax.axis_index("s")
        g = s // 8
        m = s % 8
        wid = c * 16 + s

        def dense_body(j, _):
            cid = wid * (NDC // 32) + j
            td = cid // (NBT // DCHUNK)
            qd = cid % (NBT // DCHUNK)
            src = dens_h.at[td, pl.ds(qd * DCHUNK, DCHUNK)]
            pltpu.sync_copy(src, dbuf)
            pltpu.sync_copy(dbuf, out_h.at[td // 4, td % 4,
                                           pl.ds(qd * DCHUNK, DCHUNK)])
            return _
        lax.fori_loop(0, NDC // 32, dense_body, None)

        def round_body(t, _):
            slab = PER_SC * c + 2 * t + g
            f = slab // 4
            dh = slab % 4
            r = ND + f

            def phase(p, _):
                @pl.when(m < 2)
                def _():
                    pltpu.sync_copy(
                        tab_h.at[f, pl.ds(dh * 8, 8),
                                 pl.ds((2 * p + m) * WV, WV)],
                        spm_in.at[g, m],
                    )
                plsc.subcore_barrier()

                def ext(w, __):
                    pltpu.sync_copy(spm_in.at[g, w, m],
                                    rowbuf.at[pl.ds((2 * p + w) * WV, WV)])
                    return __
                lax.fori_loop(0, 2, ext, None)
                plsc.subcore_barrier()
                return _
            lax.fori_loop(0, 7, phase, None)

            @pl.when(m == 0)
            def _():
                pltpu.sync_copy(
                    tab_h.at[f, pl.ds(dh * 8, 8), pl.ds(14 * WV, WV)],
                    spm_in.at[g, 0],
                )
            @pl.when(m == 1)
            def _():
                pltpu.sync_copy(
                    tab_h.at[f, pl.ds(dh * 8, 8), pl.ds(15 * WV, WLAST)],
                    spm_in.at[g, 1, :, pl.ds(0, WLAST)],
                )
            plsc.subcore_barrier()
            pltpu.sync_copy(spm_in.at[g, 0, m],
                            rowbuf.at[pl.ds(14 * WV, WV)])
            pltpu.sync_copy(spm_in.at[g, 1, m, pl.ds(0, WLAST)],
                            rowbuf.at[pl.ds(15 * WV, WLAST)])
            pltpu.sync_copy(tail_h.at[f, dh], tailbuf)
            for kk in range(8):
                rowbuf[pl.ds(VFULL + kk * 16, 16)] = tailbuf[m, pl.ds(kk * 16, 16)]

            def qbody(q, _):
                pltpu.sync_copy(idx_h.at[f, pl.ds(q * 32, 32)], idxc)

                def gat(j, __):
                    for l in range(0, 128, 16):
                        v = idxc[j, pl.ds(l, 16)]
                        outc[j, pl.ds(l, 16)] = plsc.load_gather(rowbuf, [v])
                    return __
                lax.fori_loop(0, 32, gat, None)
                pltpu.sync_copy(outc, spm_out.at[g, :, m, :])
                plsc.subcore_barrier()
                @pl.when(m == 0)
                def _():
                    pltpu.sync_copy(spm_out.at[g],
                                    out_h.at[r, dh, pl.ds(q * 32, 32)])
                plsc.subcore_barrier()
                return _
            lax.fori_loop(0, 4, qbody, None)
            return _

        lax.fori_loop(0, ROUNDS, round_body, None)

    return k(tabT, idx3, dense5, tail)


def _dense_matmul(dxT, W_dense, b_dense):
    bb = 2048

    def mm(w_ref, x_ref, b_ref, o_ref):
        acc = lax.dot_general(w_ref[...], x_ref[...], (((0,), (0,)), ((), ())),
                              preferred_element_type=jnp.float32)
        o_ref[...] = acc + b_ref[:, 0:1]

    return pl.pallas_call(
        mm,
        grid=(B // bb,),
        in_specs=[
            pl.BlockSpec((ND, ND * D), lambda i: (0, 0)),
            pl.BlockSpec((ND, bb), lambda i: (0, i)),
            pl.BlockSpec((ND * D, 128), lambda i: (0, 0)),
        ],
        out_specs=pl.BlockSpec((ND * D, bb), lambda i: (0, i)),
        out_shape=jax.ShapeDtypeStruct((ND * D, B), jnp.float32),
    )(W_dense, dxT, jnp.broadcast_to(b_dense[:, None], (ND * D, 128)))


def kernel(dense_x, sparse_x, W_dense, b_dense, tables):
    tabT = tables.transpose(0, 2, 1)
    idx3 = sparse_x.T.reshape(NF, NBT, 128)
    dens = _dense_matmul(dense_x.T, W_dense, b_dense)
    dense5 = dens.reshape(52, 8, NBT, 128).transpose(0, 2, 1, 3)
    tail = jnp.pad(tables[:, VFULL:, :], ((0, 0), (0, 128 - (V - VFULL)), (0, 0)))
    tail = tail.transpose(0, 2, 1).reshape(NF, 4, 8, 128)
    out5 = _sc_assemble(tabT, idx3, dense5, tail)
    return out5.transpose(2, 4, 0, 1, 3).reshape(B, NROW, D)

# --- scband reference (transcript-rebuilt; emitter-appended) ---
"""Pipeline reference for scband-base-model-14834817040552 (READ-ONLY COPY).

The authoritative reference and input builder live on the scoring server;
editing this copy changes nothing except your own understanding.
"""

import jax, jax.numpy as jnp
import numpy as np

B = 16384
NUM_DENSE = 13
NUM_SPARSE = 26
VOCAB = 100000
D_MODEL = 32


def setup_inputs(seed: int = 0) -> dict:
    key = jax.random.key(seed)
    k1, k2, k3, k4 = jax.random.split(key, 4)
    dense_x = jax.random.normal(k1, (B, NUM_DENSE), dtype=jnp.float32)
    sparse_x = jax.random.randint(k2, (B, NUM_SPARSE), 0, VOCAB, dtype=jnp.int32)
    # dense_embed: nn.Linear(num_dense, num_dense * d_model)
    W_dense = jax.random.normal(k3, (NUM_DENSE, NUM_DENSE * D_MODEL), dtype=jnp.float32) * 0.05
    b_dense = jnp.zeros((NUM_DENSE * D_MODEL,), dtype=jnp.float32)
    # 26 embedding tables, each (vocab+1, d_model), padding_idx=0 -> row 0 is zero
    tables = jax.random.normal(k4, (NUM_SPARSE, VOCAB + 1, D_MODEL), dtype=jnp.float32) * 0.05
    tables = tables.at[:, 0, :].set(0.0)
    return {"dense_x": dense_x, "sparse_x": sparse_x, "W_dense": W_dense, "b_dense": b_dense, "tables": tables}


def reference(dense_x, sparse_x, W_dense, b_dense, tables):
    batch_size = dense_x.shape[0]
    # dense branch: Linear then reshape to (B, 13, d_model)
    dense_emb = (dense_x @ W_dense + b_dense).reshape(batch_size, NUM_DENSE, D_MODEL)
    # sparse branch: per-field embedding lookup, stacked along dim=1
    # tables: (26, V+1, d); sparse_x: (B, 26) -> gather gives (B, 26, d)
    field_idx = jnp.arange(NUM_SPARSE)
    sparse_emb = tables[field_idx[None, :], sparse_x]
    return jnp.concatenate([dense_emb, sparse_emb], axis=1)

if __name__ == "__main__":
    import jax
    _d = setup_inputs()
    print(jax.jit(kernel)(*tuple(_d.values())))

</pallas_src>

<mosaic_0001>
#map = affine_map<(d0, d1) -> (0, 0, 0)>
#map1 = affine_map<(d0, d1) -> (0, 0, 0, 0)>
#map2 = affine_map<(d0, d1) -> (0, 0, 0, 0, 0)>
module attributes {stable_mosaic.version = 14 : i64} {
  func.func @k(%arg0: i32, %arg1: i32, %arg2: memref<26x32x100001xf32, #tpu.memory_space<hbm>>, %arg3: memref<26x128x128xi32, #tpu.memory_space<hbm>>, %arg4: memref<52x128x8x128xf32, #tpu.memory_space<hbm>>, %arg5: memref<26x4x8x128xf32, #tpu.memory_space<hbm>>, %arg6: memref<39x4x128x8x128xf32, #tpu.memory_space<hbm>>, %arg7: memref<100096xf32, #tpu.memory_space<vmem>>, %arg8: memref<32x128xi32, #tpu.memory_space<vmem>>, %arg9: memref<32x128xf32, #tpu.memory_space<vmem>>, %arg10: memref<2x8x128xf32, #tpu.memory_space<vmem>>, %arg11: memref<8x128xf32, #tpu.memory_space<vmem>>, %arg12: memref<2x2x8x6272xf32, #tpu.memory_space<vmem_shared>>, %arg13: memref<2x32x8x128xf32, #tpu.memory_space<vmem_shared>>) attributes {dimension_semantics = [#tpu.dimension_semantics<core_parallel>, #tpu.dimension_semantics<subcore_parallel>], iteration_bounds = array<i64: 2, 16>, scalar_prefetch = 0 : i64, scratch_operands = 7 : i64, tpu.core_type = #tpu.core_type<sc_vector_subcore>, window_params = [{transform_indices = #map}, {transform_indices = #map}, {transform_indices = #map1}, {transform_indices = #map1}, {transform_indices = #map2}]} {
    %jit3A = arith.constant 8 : i32
    %div3A = arith.divsi %arg1, %jit3A : i32
    %sign3A = arith.constant 0 : i32
    %sign3A_0 = arith.cmpi sgt, %arg1, %sign3A : i32
    %sign3A_1 = arith.extui %sign3A_0 : i1 to i32
    %sign3A_2 = arith.constant 0 : i32
    %sign3A_3 = arith.cmpi slt, %arg1, %sign3A_2 : i32
    %sign3A_4 = arith.extui %sign3A_3 : i1 to i32
    %sign3A_5 = arith.subi %sign3A_1, %sign3A_4 : i32
    %sign3A_6 = arith.constant 0 : i32
    %sign3A_7 = arith.cmpi sgt, %jit3A, %sign3A_6 : i32
    %sign3A_8 = arith.extui %sign3A_7 : i1 to i32
    %sign3A_9 = arith.constant 0 : i32
    %sign3A_10 = arith.cmpi slt, %jit3A, %sign3A_9 : i32
    %sign3A_11 = arith.extui %sign3A_10 : i1 to i32
    %sign3A_12 = arith.subi %sign3A_8, %sign3A_11 : i32
    %ne3A = arith.cmpi ne, %sign3A_5, %sign3A_12 : i32
    %rem3A = arith.remsi %arg1, %jit3A : i32
    %ne3A_13 = arith.constant 0 : i32
    %ne3A_14 = arith.cmpi ne, %rem3A, %ne3A_13 : i32
    %and3A = arith.andi %ne3A, %ne3A_14 : i1
    %sub3A = arith.constant 1 : i32
    %sub3A_15 = arith.subi %div3A, %sub3A : i32
    %select_n3A = arith.select %and3A, %sub3A_15, %div3A : i32
    %jit3A_16 = arith.constant 8 : i32
    %eq3A = arith.constant 0 : i32
    %eq3A_17 = arith.cmpi eq, %jit3A_16, %eq3A : i32
    %jit3A_18 = arith.constant 1 : i32
    %select_n3A_19 = arith.select %eq3A_17, %jit3A_18, %jit3A_16 : i32
    %rem3A_20 = arith.remsi %arg1, %select_n3A_19 : i32
    %ne3A_21 = arith.constant 0 : i32
    %ne3A_22 = arith.cmpi ne, %rem3A_20, %ne3A_21 : i32
    %lt3A = arith.constant 0 : i32
    %lt3A_23 = arith.cmpi slt, %rem3A_20, %lt3A : i32
    %lt3A_24 = arith.constant 0 : i32
    %lt3A_25 = arith.cmpi slt, %select_n3A_19, %lt3A_24 : i32
    %ne3A_26 = arith.xori %lt3A_23, %lt3A_25 : i1
    %and3A_27 = arith.andi %ne3A_26, %ne3A_22 : i1
    %add3A = arith.addi %rem3A_20, %select_n3A_19 : i32
    %select_n3A_28 = arith.select %and3A_27, %add3A, %rem3A_20 : i32
    %mul3A = arith.constant 16 : i32
    %mul3A_29 = arith.muli %arg0, %mul3A : i32
    %add3A_30 = arith.addi %mul3A_29, %arg1 : i32
    %scan3A = arith.constant 0 : i32
    %scan3A_31 = arith.constant 104 : i32
    %scan3A_32 = arith.addi %scan3A, %scan3A_31 : i32
    %scan3A_33 = arith.constant 1 : i32
    scf.for %scan3A_40 = %scan3A to %scan3A_32 step %scan3A_33  : i32 {
      %mul3A_41 = arith.constant 104 : i32
      %mul3A_42 = arith.muli %add3A_30, %mul3A_41 : i32
      %add3A_43 = arith.addi %mul3A_42, %scan3A_40 : i32
      %jit3A_44 = arith.constant 64 : i32
      %div3A_45 = arith.divsi %add3A_43, %jit3A_44 : i32
      %sign3A_46 = arith.constant 0 : i32
      %sign3A_47 = arith.cmpi sgt, %add3A_43, %sign3A_46 : i32
      %sign3A_48 = arith.extui %sign3A_47 : i1 to i32
      %sign3A_49 = arith.constant 0 : i32
      %sign3A_50 = arith.cmpi slt, %add3A_43, %sign3A_49 : i32
      %sign3A_51 = arith.extui %sign3A_50 : i1 to i32
      %sign3A_52 = arith.subi %sign3A_48, %sign3A_51 : i32
      %sign3A_53 = arith.constant 0 : i32
      %sign3A_54 = arith.cmpi sgt, %jit3A_44, %sign3A_53 : i32
      %sign3A_55 = arith.extui %sign3A_54 : i1 to i32
      %sign3A_56 = arith.constant 0 : i32
      %sign3A_57 = arith.cmpi slt, %jit3A_44, %sign3A_56 : i32
      %sign3A_58 = arith.extui %sign3A_57 : i1 to i32
      %sign3A_59 = arith.subi %sign3A_55, %sign3A_58 : i32
      %ne3A_60 = arith.cmpi ne, %sign3A_52, %sign3A_59 : i32
      %rem3A_61 = arith.remsi %add3A_43, %jit3A_44 : i32
      %ne3A_62 = arith.constant 0 : i32
      %ne3A_63 = arith.cmpi ne, %rem3A_61, %ne3A_62 : i32
      %and3A_64 = arith.andi %ne3A_60, %ne3A_63 : i1
      %sub3A_65 = arith.constant 1 : i32
      %sub3A_66 = arith.subi %div3A_45, %sub3A_65 : i32
      %select_n3A_67 = arith.select %and3A_64, %sub3A_66, %div3A_45 : i32
      %jit3A_68 = arith.constant 64 : i32
      %eq3A_69 = arith.constant 0 : i32
      %eq3A_70 = arith.cmpi eq, %jit3A_68, %eq3A_69 : i32
      %jit3A_71 = arith.constant 1 : i32
      %select_n3A_72 = arith.select %eq3A_70, %jit3A_71, %jit3A_68 : i32
      %rem3A_73 = arith.remsi %add3A_43, %select_n3A_72 : i32
      %ne3A_74 = arith.constant 0 : i32
      %ne3A_75 = arith.cmpi ne, %rem3A_73, %ne3A_74 : i32
      %lt3A_76 = arith.constant 0 : i32
      %lt3A_77 = arith.cmpi slt, %rem3A_73, %lt3A_76 : i32
      %lt3A_78 = arith.constant 0 : i32
      %lt3A_79 = arith.cmpi slt, %select_n3A_72, %lt3A_78 : i32
      %ne3A_80 = arith.xori %lt3A_77, %lt3A_79 : i1
      %and3A_81 = arith.andi %ne3A_80, %ne3A_75 : i1
      %add3A_82 = arith.addi %rem3A_73, %select_n3A_72 : i32
      %select_n3A_83 = arith.select %and3A_81, %add3A_82, %rem3A_73 : i32
      %mul3A_84 = arith.constant 2 : i32
      %mul3A_85 = arith.muli %select_n3A_83, %mul3A_84 : i32
      "tpu.region"() ({
        %run_scoped3A = tpu.sem_alloc : memref<!tpu.dma_semaphore, #tpu.memory_space<semaphore_mem>>
        %dma_start3A = arith.constant 0 : i32
        %dma_start3A_128 = arith.constant 0 : i32
        %dma_start3A_129 = tpu.memref_slice %arg4[%select_n3A_67, %mul3A_85, %dma_start3A, %dma_start3A_128] : memref<52x128x8x128xf32, #tpu.memory_space<hbm>> -> memref<1x2x8x128xf32, #tpu.memory_space<hbm>>
        %dma_start3A_130 = tpu.memref_squeeze %dma_start3A_129 : memref<1x2x8x128xf32, #tpu.memory_space<hbm>> -> memref<2x8x128xf32, #tpu.memory_space<hbm>>
        %dma_start3A_131 = arith.constant 0 : i32
        %dma_start3A_132 = arith.constant 0 : i32
        %dma_start3A_133 = tpu.memref_slice %arg4[%select_n3A_67, %mul3A_85, %dma_start3A_131, %dma_start3A_132] : memref<52x128x8x128xf32, #tpu.memory_space<hbm>> -> memref<1x2x8x128xf32, #tpu.memory_space<hbm>>
        %dma_start3A_134 = tpu.memref_squeeze %dma_start3A_133 : memref<1x2x8x128xf32, #tpu.memory_space<hbm>> -> memref<2x8x128xf32, #tpu.memory_space<hbm>>
        tpu.enqueue_dma source(%dma_start3A_134 : memref<2x8x128xf32, #tpu.memory_space<hbm>>) target(%arg10 : memref<2x8x128xf32, #tpu.memory_space<vmem>>) target_semaphore(%run_scoped3A : memref<!tpu.dma_semaphore, #tpu.memory_space<semaphore_mem>>)
        %dma_wait3A = arith.constant 0 : i32
        %dma_wait3A_135 = arith.constant 0 : i32
        %dma_wait3A_136 = tpu.memref_slice %arg4[%select_n3A_67, %mul3A_85, %dma_wait3A, %dma_wait3A_135] : memref<52x128x8x128xf32, #tpu.memory_space<hbm>> -> memref<1x2x8x128xf32, #tpu.memory_space<hbm>>
        %dma_wait3A_137 = tpu.memref_squeeze %dma_wait3A_136 : memref<1x2x8x128xf32, #tpu.memory_space<hbm>> -> memref<2x8x128xf32, #tpu.memory_space<hbm>>
        %dma_wait3A_138 = arith.constant 0 : i32
        %dma_wait3A_139 = arith.constant 0 : i32
        %dma_wait3A_140 = tpu.memref_slice %arg4[%select_n3A_67, %mul3A_85, %dma_wait3A_138, %dma_wait3A_139] : memref<52x128x8x128xf32, #tpu.memory_space<hbm>> -> memref<1x2x8x128xf32, #tpu.memory_space<hbm>>
        %dma_wait3A_141 = tpu.memref_squeeze %dma_wait3A_140 : memref<1x2x8x128xf32, #tpu.memory_space<hbm>> -> memref<2x8x128xf32, #tpu.memory_space<hbm>>
        tpu.wait_dma2 semaphore(%run_scoped3A : memref<!tpu.dma_semaphore, #tpu.memory_space<semaphore_mem>>) src(%dma_wait3A_141 : memref<2x8x128xf32, #tpu.memory_space<hbm>>) dst(%arg10 : memref<2x8x128xf32, #tpu.memory_space<vmem>>)
        tpu.yield
      }) : () -> ()
      %jit3A_86 = arith.constant 4 : i32
      %div3A_87 = arith.divsi %select_n3A_67, %jit3A_86 : i32
      %sign3A_88 = arith.constant 0 : i32
      %sign3A_89 = arith.cmpi sgt, %select_n3A_67, %sign3A_88 : i32
      %sign3A_90 = arith.extui %sign3A_89 : i1 to i32
      %sign3A_91 = arith.constant 0 : i32
      %sign3A_92 = arith.cmpi slt, %select_n3A_67, %sign3A_91 : i32
      %sign3A_93 = arith.extui %sign3A_92 : i1 to i32
      %sign3A_94 = arith.subi %sign3A_90, %sign3A_93 : i32
      %sign3A_95 = arith.constant 0 : i32
      %sign3A_96 = arith.cmpi sgt, %jit3A_86, %sign3A_95 : i32
      %sign3A_97 = arith.extui %sign3A_96 : i1 to i32
      %sign3A_98 = arith.constant 0 : i32
      %sign3A_99 = arith.cmpi slt, %jit3A_86, %sign3A_98 : i32
      %sign3A_100 = arith.extui %sign3A_99 : i1 to i32
      %sign3A_101 = arith.subi %sign3A_97, %sign3A_100 : i32
      %ne3A_102 = arith.cmpi ne, %sign3A_94, %sign3A_101 : i32
      %rem3A_103 = arith.remsi %select_n3A_67, %jit3A_86 : i32
      %ne3A_104 = arith.constant 0 : i32
      %ne3A_105 = arith.cmpi ne, %rem3A_103, %ne3A_104 : i32
      %and3A_106 = arith.andi %ne3A_102, %ne3A_105 : i1
      %sub3A_107 = arith.constant 1 : i32
      %sub3A_108 = arith.subi %div3A_87, %sub3A_107 : i32
      %select_n3A_109 = arith.select %and3A_106, %sub3A_108, %div3A_87 : i32
      %jit3A_110 = arith.constant 4 : i32
      %eq3A_111 = arith.constant 0 : i32
      %eq3A_112 = arith.cmpi eq, %jit3A_110, %eq3A_111 : i32
      %jit3A_113 = arith.constant 1 : i32
      %select_n3A_114 = arith.select %eq3A_112, %jit3A_113, %jit3A_110 : i32
      %rem3A_115 = arith.remsi %select_n3A_67, %select_n3A_114 : i32
      %ne3A_116 = arith.constant 0 : i32
      %ne3A_117 = arith.cmpi ne, %rem3A_115, %ne3A_116 : i32
      %lt3A_118 = arith.constant 0 : i32
      %lt3A_119 = arith.cmpi slt, %rem3A_115, %lt3A_118 : i32
      %lt3A_120 = arith.constant 0 : i32
      %lt3A_121 = arith.cmpi slt, %select_n3A_114, %lt3A_120 : i32
      %ne3A_122 = arith.xori %lt3A_119, %lt3A_121 : i1
      %and3A_123 = arith.andi %ne3A_122, %ne3A_117 : i1
      %add3A_124 = arith.addi %rem3A_115, %select_n3A_114 : i32
      %select_n3A_125 = arith.select %and3A_123, %add3A_124, %rem3A_115 : i32
      %mul3A_126 = arith.constant 2 : i32
      %mul3A_127 = arith.muli %select_n3A_83, %mul3A_126 : i32
      "tpu.region"() ({
        %run_scoped3A = tpu.sem_alloc : memref<!tpu.dma_semaphore, #tpu.memory_space<semaphore_mem>>
        %dma_start3A = arith.constant 0 : i32
        %dma_start3A_128 = arith.constant 0 : i32
        %dma_start3A_129 = tpu.memref_slice %arg6[%select_n3A_109, %select_n3A_125, %mul3A_127, %dma_start3A, %dma_start3A_128] : memref<39x4x128x8x128xf32, #tpu.memory_space<hbm>> -> memref<1x1x2x8x128xf32, #tpu.memory_space<hbm>>
        %dma_start3A_130 = tpu.memref_squeeze %dma_start3A_129 : memref<1x1x2x8x128xf32, #tpu.memory_space<hbm>> -> memref<2x8x128xf32, #tpu.memory_space<hbm>>
        %dma_start3A_131 = arith.constant 0 : i32
        %dma_start3A_132 = arith.constant 0 : i32
        %dma_start3A_133 = tpu.memref_slice %arg6[%select_n3A_109, %select_n3A_125, %mul3A_127, %dma_start3A_131, %dma_start3A_132] : memref<39x4x128x8x128xf32, #tpu.memory_space<hbm>> -> memref<1x1x2x8x128xf32, #tpu.memory_space<hbm>>
        %dma_start3A_134 = tpu.memref_squeeze %dma_start3A_133 : memref<1x1x2x8x128xf32, #tpu.memory_space<hbm>> -> memref<2x8x128xf32, #tpu.memory_space<hbm>>
        tpu.enqueue_dma source(%arg10 : memref<2x8x128xf32, #tpu.memory_space<vmem>>) target(%dma_start3A_134 : memref<2x8x128xf32, #tpu.memory_space<hbm>>) target_semaphore(%run_scoped3A : memref<!tpu.dma_semaphore, #tpu.memory_space<semaphore_mem>>)
        %dma_wait3A = arith.constant 0 : i32
        %dma_wait3A_135 = arith.constant 0 : i32
        %dma_wait3A_136 = tpu.memref_slice %arg6[%select_n3A_109, %select_n3A_125, %mul3A_127, %dma_wait3A, %dma_wait3A_135] : memref<39x4x128x8x128xf32, #tpu.memory_space<hbm>> -> memref<1x1x2x8x128xf32, #tpu.memory_space<hbm>>
        %dma_wait3A_137 = tpu.memref_squeeze %dma_wait3A_136 : memref<1x1x2x8x128xf32, #tpu.memory_space<hbm>> -> memref<2x8x128xf32, #tpu.memory_space<hbm>>
        %dma_wait3A_138 = arith.constant 0 : i32
        %dma_wait3A_139 = arith.constant 0 : i32
        %dma_wait3A_140 = tpu.memref_slice %arg6[%select_n3A_109, %select_n3A_125, %mul3A_127, %dma_wait3A_138, %dma_wait3A_139] : memref<39x4x128x8x128xf32, #tpu.memory_space<hbm>> -> memref<1x1x2x8x128xf32, #tpu.memory_space<hbm>>
        %dma_wait3A_141 = tpu.memref_squeeze %dma_wait3A_140 : memref<1x1x2x8x128xf32, #tpu.memory_space<hbm>> -> memref<2x8x128xf32, #tpu.memory_space<hbm>>
        tpu.wait_dma2 semaphore(%run_scoped3A : memref<!tpu.dma_semaphore, #tpu.memory_space<semaphore_mem>>) src(%arg10 : memref<2x8x128xf32, #tpu.memory_space<vmem>>) dst(%dma_wait3A_141 : memref<2x8x128xf32, #tpu.memory_space<hbm>>)
        tpu.yield
      }) : () -> ()
    }
    %scan3A_34 = arith.constant 104 : i32
    %scan3A_35 = arith.constant 0 : i32
    %scan3A_36 = arith.constant 26 : i32
    %scan3A_37 = arith.addi %scan3A_35, %scan3A_36 : i32
    %scan3A_38 = arith.constant 1 : i32
    scf.for %scan3A_40 = %scan3A_35 to %scan3A_37 step %scan3A_38  : i32 {
      %mul3A_41 = arith.constant 52 : i32
      %mul3A_42 = arith.muli %mul3A_41, %arg0 : i32
      %mul3A_43 = arith.constant 2 : i32
      %mul3A_44 = arith.muli %mul3A_43, %scan3A_40 : i32
      %add3A_45 = arith.addi %mul3A_42, %mul3A_44 : i32
      %add3A_46 = arith.addi %add3A_45, %select_n3A : i32
      %jit3A_47 = arith.constant 4 : i32
      %div3A_48 = arith.divsi %add3A_46, %jit3A_47 : i32
      %sign3A_49 = arith.constant 0 : i32
      %sign3A_50 = arith.cmpi sgt, %add3A_46, %sign3A_49 : i32
      %sign3A_51 = arith.extui %sign3A_50 : i1 to i32
      %sign3A_52 = arith.constant 0 : i32
      %sign3A_53 = arith.cmpi slt, %add3A_46, %sign3A_52 : i32
      %sign3A_54 = arith.extui %sign3A_53 : i1 to i32
      %sign3A_55 = arith.subi %sign3A_51, %sign3A_54 : i32
      %sign3A_56 = arith.constant 0 : i32
      %sign3A_57 = arith.cmpi sgt, %jit3A_47, %sign3A_56 : i32
      %sign3A_58 = arith.extui %sign3A_57 : i1 to i32
      %sign3A_59 = arith.constant 0 : i32
      %sign3A_60 = arith.cmpi slt, %jit3A_47, %sign3A_59 : i32
      %sign3A_61 = arith.extui %sign3A_60 : i1 to i32
      %sign3A_62 = arith.subi %sign3A_58, %sign3A_61 : i32
      %ne3A_63 = arith.cmpi ne, %sign3A_55, %sign3A_62 : i32
      %rem3A_64 = arith.remsi %add3A_46, %jit3A_47 : i32
      %ne3A_65 = arith.constant 0 : i32
      %ne3A_66 = arith.cmpi ne, %rem3A_64, %ne3A_65 : i32
      %and3A_67 = arith.andi %ne3A_63, %ne3A_66 : i1
      %sub3A_68 = arith.constant 1 : i32
      %sub3A_69 = arith.subi %div3A_48, %sub3A_68 : i32
      %select_n3A_70 = arith.select %and3A_67, %sub3A_69, %div3A_48 : i32
      %jit3A_71 = arith.constant 4 : i32
      %eq3A_72 = arith.constant 0 : i32
      %eq3A_73 = arith.cmpi eq, %jit3A_71, %eq3A_72 : i32
      %jit3A_74 = arith.constant 1 : i32
      %select_n3A_75 = arith.select %eq3A_73, %jit3A_74, %jit3A_71 : i32
      %rem3A_76 = arith.remsi %add3A_46, %select_n3A_75 : i32
      %ne3A_77 = arith.constant 0 : i32
      %ne3A_78 = arith.cmpi ne, %rem3A_76, %ne3A_77 : i32
      %lt3A_79 = arith.constant 0 : i32
      %lt3A_80 = arith.cmpi slt, %rem3A_76, %lt3A_79 : i32
      %lt3A_81 = arith.constant 0 : i32
      %lt3A_82 = arith.cmpi slt, %select_n3A_75, %lt3A_81 : i32
      %ne3A_83 = arith.xori %lt3A_80, %lt3A_82 : i1
      %and3A_84 = arith.andi %ne3A_83, %ne3A_78 : i1
      %add3A_85 = arith.addi %rem3A_76, %select_n3A_75 : i32
      %select_n3A_86 = arith.select %and3A_84, %add3A_85, %rem3A_76 : i32
      %add3A_87 = arith.constant 13 : i32
      %add3A_88 = arith.addi %add3A_87, %select_n3A_70 : i32
      %scan3A_89 = arith.constant 0 : i32
      %scan3A_90 = arith.constant 7 : i32
      %scan3A_91 = arith.addi %scan3A_89, %scan3A_90 : i32
      %scan3A_92 = arith.constant 1 : i32
      scf.for %scan3A_146 = %scan3A_89 to %scan3A_91 step %scan3A_92  : i32 {
        %lt3A_147 = arith.constant 2 : i32
        %lt3A_148 = arith.cmpi slt, %select_n3A_28, %lt3A_147 : i32
        %convert_element_type3A_149 = arith.extui %lt3A_148 : i1 to i32
        %cond3A_150 = arith.constant 0 : i32
        %cond3A_151 = arith.cmpi ne, %convert_element_type3A_149, %cond3A_150 : i32
        scf.if %cond3A_151 {
          %mul3A_159 = arith.constant 8 : i32
          %mul3A_160 = arith.muli %select_n3A_86, %mul3A_159 : i32
          %mul3A_161 = arith.constant 2 : i32
          %mul3A_162 = arith.muli %mul3A_161, %scan3A_146 : i32
          %add3A_163 = arith.addi %mul3A_162, %select_n3A_28 : i32
          %mul3A_164 = arith.constant 6272 : i32
          %mul3A_165 = arith.muli %add3A_163, %mul3A_164 : i32
          "tpu.region"() ({
            %run_scoped3A_166 = tpu.sem_alloc : memref<!tpu.dma_semaphore, #tpu.memory_space<semaphore_mem>>
            %dma_start3A = arith.constant 0 : i32
            %dma_start3A_167 = arith.constant 0 : i32
            %dma_start3A_168 = tpu.memref_slice %arg12[%select_n3A, %select_n3A_28, %dma_start3A, %dma_start3A_167] : memref<2x2x8x6272xf32, #tpu.memory_space<vmem_shared>> -> memref<1x1x8x6272xf32, #tpu.memory_space<vmem_shared>>
            %dma_start3A_169 = tpu.memref_squeeze %dma_start3A_168 : memref<1x1x8x6272xf32, #tpu.memory_space<vmem_shared>> -> memref<8x6272xf32, #tpu.memory_space<vmem_shared>>
            %dma_start3A_170 = tpu.memref_slice %arg2[%select_n3A_70, %mul3A_160, %mul3A_165] : memref<26x32x100001xf32, #tpu.memory_space<hbm>> -> memref<1x8x6272xf32, #tpu.memory_space<hbm>>
            %dma_start3A_171 = tpu.memref_squeeze %dma_start3A_170 : memref<1x8x6272xf32, #tpu.memory_space<hbm>> -> memref<8x6272xf32, #tpu.memory_space<hbm>>
            tpu.enqueue_dma source(%dma_start3A_171 : memref<8x6272xf32, #tpu.memory_space<hbm>>) target(%dma_start3A_169 : memref<8x6272xf32, #tpu.memory_space<vmem_shared>>) target_semaphore(%run_scoped3A_166 : memref<!tpu.dma_semaphore, #tpu.memory_space<semaphore_mem>>)
            %dma_wait3A = arith.constant 0 : i32
            %dma_wait3A_172 = arith.constant 0 : i32
            %dma_wait3A_173 = tpu.memref_slice %arg12[%select_n3A, %select_n3A_28, %dma_wait3A, %dma_wait3A_172] : memref<2x2x8x6272xf32, #tpu.memory_space<vmem_shared>> -> memref<1x1x8x6272xf32, #tpu.memory_space<vmem_shared>>
            %dma_wait3A_174 = tpu.memref_squeeze %dma_wait3A_173 : memref<1x1x8x6272xf32, #tpu.memory_space<vmem_shared>> -> memref<8x6272xf32, #tpu.memory_space<vmem_shared>>
            %dma_wait3A_175 = tpu.memref_slice %arg2[%select_n3A_70, %mul3A_160, %mul3A_165] : memref<26x32x100001xf32, #tpu.memory_space<hbm>> -> memref<1x8x6272xf32, #tpu.memory_space<hbm>>
            %dma_wait3A_176 = tpu.memref_squeeze %dma_wait3A_175 : memref<1x8x6272xf32, #tpu.memory_space<hbm>> -> memref<8x6272xf32, #tpu.memory_space<hbm>>
            tpu.wait_dma2 semaphore(%run_scoped3A_166 : memref<!tpu.dma_semaphore, #tpu.memory_space<semaphore_mem>>) src(%dma_wait3A_176 : memref<8x6272xf32, #tpu.memory_space<hbm>>) dst(%dma_wait3A_174 : memref<8x6272xf32, #tpu.memory_space<vmem_shared>>)
            tpu.yield
          }) : () -> ()
        } else {
        }
        %barrier3A_152 = arith.constant 0 : index
        tpu.barrier barrier_id(%barrier3A_152)
        %scan3A_153 = arith.constant 0 : i32
        %scan3A_154 = arith.constant 2 : i32
        %scan3A_155 = arith.addi %scan3A_153, %scan3A_154 : i32
        %scan3A_156 = arith.constant 1 : i32
        scf.for %scan3A_159 = %scan3A_153 to %scan3A_155 step %scan3A_156  : i32 {
          %mul3A_160 = arith.constant 2 : i32
          %mul3A_161 = arith.muli %mul3A_160, %scan3A_146 : i32
          %add3A_162 = arith.addi %mul3A_161, %scan3A_159 : i32
          %mul3A_163 = arith.constant 6272 : i32
          %mul3A_164 = arith.muli %add3A_162, %mul3A_163 : i32
          "tpu.region"() ({
            %run_scoped3A_165 = tpu.sem_alloc : memref<!tpu.dma_semaphore, #tpu.memory_space<semaphore_mem>>
            %dma_start3A = tpu.memref_slice %arg7[%mul3A_164] : memref<100096xf32, #tpu.memory_space<vmem>> -> memref<6272xf32, #tpu.memory_space<vmem>>
            %dma_start3A_166 = arith.constant 0 : i32
            %dma_start3A_167 = tpu.memref_slice %arg12[%select_n3A, %scan3A_159, %select_n3A_28, %dma_start3A_166] : memref<2x2x8x6272xf32, #tpu.memory_space<vmem_shared>> -> memref<1x1x1x6272xf32, #tpu.memory_space<vmem_shared>>
            %dma_start3A_168 = tpu.memref_squeeze %dma_start3A_167 : memref<1x1x1x6272xf32, #tpu.memory_space<vmem_shared>> -> memref<6272xf32, #tpu.memory_space<vmem_shared>>
            %dma_start3A_169 = tpu.memref_slice %arg7[%mul3A_164] : memref<100096xf32, #tpu.memory_space<vmem>> -> memref<6272xf32, #tpu.memory_space<vmem>>
            %dma_start3A_170 = arith.constant 0 : i32
            %dma_start3A_171 = tpu.memref_slice %arg12[%select_n3A, %scan3A_159, %select_n3A_28, %dma_start3A_170] : memref<2x2x8x6272xf32, #tpu.memory_space<vmem_shared>> -> memref<1x1x1x6272xf32, #tpu.memory_space<vmem_shared>>
            %dma_start3A_172 = tpu.memref_squeeze %dma_start3A_171 : memref<1x1x1x6272xf32, #tpu.memory_space<vmem_shared>> -> memref<6272xf32, #tpu.memory_space<vmem_shared>>
            tpu.enqueue_dma source(%dma_start3A_172 : memref<6272xf32, #tpu.memory_space<vmem_shared>>) target(%dma_start3A_169 : memref<6272xf32, #tpu.memory_space<vmem>>) target_semaphore(%run_scoped3A_165 : memref<!tpu.dma_semaphore, #tpu.memory_space<semaphore_mem>>)
            %dma_wait3A = tpu.memref_slice %arg7[%mul3A_164] : memref<100096xf32, #tpu.memory_space<vmem>> -> memref<6272xf32, #tpu.memory_space<vmem>>
            %dma_wait3A_173 = arith.constant 0 : i32
            %dma_wait3A_174 = tpu.memref_slice %arg12[%select_n3A, %scan3A_159, %select_n3A_28, %dma_wait3A_173] : memref<2x2x8x6272xf32, #tpu.memory_space<vmem_shared>> -> memref<1x1x1x6272xf32, #tpu.memory_space<vmem_shared>>
            %dma_wait3A_175 = tpu.memref_squeeze %dma_wait3A_174 : memref<1x1x1x6272xf32, #tpu.memory_space<vmem_shared>> -> memref<6272xf32, #tpu.memory_space<vmem_shared>>
            %dma_wait3A_176 = tpu.memref_slice %arg7[%mul3A_164] : memref<100096xf32, #tpu.memory_space<vmem>> -> memref<6272xf32, #tpu.memory_space<vmem>>
            %dma_wait3A_177 = arith.constant 0 : i32
            %dma_wait3A_178 = tpu.memref_slice %arg12[%select_n3A, %scan3A_159, %select_n3A_28, %dma_wait3A_177] : memref<2x2x8x6272xf32, #tpu.memory_space<vmem_shared>> -> memref<1x1x1x6272xf32, #tpu.memory_space<vmem_shared>>
            %dma_wait3A_179 = tpu.memref_squeeze %dma_wait3A_178 : memref<1x1x1x6272xf32, #tpu.memory_space<vmem_shared>> -> memref<6272xf32, #tpu.memory_space<vmem_shared>>
            tpu.wait_dma2 semaphore(%run_scoped3A_165 : memref<!tpu.dma_semaphore, #tpu.memory_space<semaphore_mem>>) src(%dma_wait3A_179 : memref<6272xf32, #tpu.memory_space<vmem_shared>>) dst(%dma_wait3A_176 : memref<6272xf32, #tpu.memory_space<vmem>>)
            tpu.yield
          }) : () -> ()
        }
        %scan3A_157 = arith.constant 2 : i32
        %barrier3A_158 = arith.constant 0 : index
        tpu.barrier barrier_id(%barrier3A_158)
      }
      %scan3A_93 = arith.constant 7 : i32
      %eq3A_94 = arith.constant 0 : i32
      %eq3A_95 = arith.cmpi eq, %select_n3A_28, %eq3A_94 : i32
      %convert_element_type3A = arith.extui %eq3A_95 : i1 to i32
      %cond3A = arith.constant 0 : i32
      %cond3A_96 = arith.cmpi ne, %convert_element_type3A, %cond3A : i32
      scf.if %cond3A_96 {
        %mul3A_146 = arith.constant 8 : i32
        %mul3A_147 = arith.muli %select_n3A_86, %mul3A_146 : i32
        %run_scoped3A_148 = arith.constant 0 : i32
        "tpu.region"() ({
          %run_scoped3A_149 = tpu.sem_alloc : memref<!tpu.dma_semaphore, #tpu.memory_space<semaphore_mem>>
          %dma_start3A = arith.constant 0 : i32
          %dma_start3A_150 = arith.constant 0 : i32
          %dma_start3A_151 = tpu.memref_slice %arg12[%select_n3A, %run_scoped3A_148, %dma_start3A, %dma_start3A_150] : memref<2x2x8x6272xf32, #tpu.memory_space<vmem_shared>> -> memref<1x1x8x6272xf32, #tpu.memory_space<vmem_shared>>
          %dma_start3A_152 = tpu.memref_squeeze %dma_start3A_151 : memref<1x1x8x6272xf32, #tpu.memory_space<vmem_shared>> -> memref<8x6272xf32, #tpu.memory_space<vmem_shared>>
          %dma_start3A_153 = arith.constant 87808 : i32
          %dma_start3A_154 = tpu.memref_slice %arg2[%select_n3A_70, %mul3A_147, %dma_start3A_153] : memref<26x32x100001xf32, #tpu.memory_space<hbm>> -> memref<1x8x6272xf32, #tpu.memory_space<hbm>>
          %dma_start3A_155 = tpu.memref_squeeze %dma_start3A_154 : memref<1x8x6272xf32, #tpu.memory_space<hbm>> -> memref<8x6272xf32, #tpu.memory_space<hbm>>
          tpu.enqueue_dma source(%dma_start3A_155 : memref<8x6272xf32, #tpu.memory_space<hbm>>) target(%dma_start3A_152 : memref<8x6272xf32, #tpu.memory_space<vmem_shared>>) target_semaphore(%run_scoped3A_149 : memref<!tpu.dma_semaphore, #tpu.memory_space<semaphore_mem>>)
          %dma_wait3A = arith.constant 0 : i32
          %dma_wait3A_156 = arith.constant 0 : i32
          %dma_wait3A_157 = tpu.memref_slice %arg12[%select_n3A, %run_scoped3A_148, %dma_wait3A, %dma_wait3A_156] : memref<2x2x8x6272xf32, #tpu.memory_space<vmem_shared>> -> memref<1x1x8x6272xf32, #tpu.memory_space<vmem_shared>>
          %dma_wait3A_158 = tpu.memref_squeeze %dma_wait3A_157 : memref<1x1x8x6272xf32, #tpu.memory_space<vmem_shared>> -> memref<8x6272xf32, #tpu.memory_space<vmem_shared>>
          %dma_wait3A_159 = arith.constant 87808 : i32
          %dma_wait3A_160 = tpu.memref_slice %arg2[%select_n3A_70, %mul3A_147, %dma_wait3A_159] : memref<26x32x100001xf32, #tpu.memory_space<hbm>> -> memref<1x8x6272xf32, #tpu.memory_space<hbm>>
          %dma_wait3A_161 = tpu.memref_squeeze %dma_wait3A_160 : memref<1x8x6272xf32, #tpu.memory_space<hbm>> -> memref<8x6272xf32, #tpu.memory_space<hbm>>
          tpu.wait_dma2 semaphore(%run_scoped3A_149 : memref<!tpu.dma_semaphore, #tpu.memory_space<semaphore_mem>>) src(%dma_wait3A_161 : memref<8x6272xf32, #tpu.memory_space<hbm>>) dst(%dma_wait3A_158 : memref<8x6272xf32, #tpu.memory_space<vmem_shared>>)
          tpu.yield
        }) : () -> ()
      } else {
      }
      %eq3A_97 = arith.constant 1 : i32
      %eq3A_98 = arith.cmpi eq, %select_n3A_28, %eq3A_97 : i32
      %convert_element_type3A_99 = arith.extui %eq3A_98 : i1 to i32
      %cond3A_100 = arith.constant 0 : i32
      %cond3A_101 = arith.cmpi ne, %convert_element_type3A_99, %cond3A_100 : i32
      scf.if %cond3A_101 {
        %mul3A_146 = arith.constant 8 : i32
        %mul3A_147 = arith.muli %select_n3A_86, %mul3A_146 : i32
        %run_scoped3A_148 = arith.constant 1 : i32
        "tpu.region"() ({
          %run_scoped3A_149 = tpu.sem_alloc : memref<!tpu.dma_semaphore, #tpu.memory_space<semaphore_mem>>
          %dma_start3A = arith.constant 0 : i32
          %dma_start3A_150 = arith.constant 0 : i32
          %dma_start3A_151 = tpu.memref_slice %arg12[%select_n3A, %run_scoped3A_148, %dma_start3A, %dma_start3A_150] : memref<2x2x8x6272xf32, #tpu.memory_space<vmem_shared>> -> memref<1x1x8x5888xf32, #tpu.memory_space<vmem_shared>>
          %dma_start3A_152 = tpu.memref_squeeze %dma_start3A_151 : memref<1x1x8x5888xf32, #tpu.memory_space<vmem_shared>> -> memref<8x5888xf32, #tpu.memory_space<vmem_shared>>
          %dma_start3A_153 = arith.constant 94080 : i32
          %dma_start3A_154 = tpu.memref_slice %arg2[%select_n3A_70, %mul3A_147, %dma_start3A_153] : memref<26x32x100001xf32, #tpu.memory_space<hbm>> -> memref<1x8x5888xf32, #tpu.memory_space<hbm>>
          %dma_start3A_155 = tpu.memref_squeeze %dma_start3A_154 : memref<1x8x5888xf32, #tpu.memory_space<hbm>> -> memref<8x5888xf32, #tpu.memory_space<hbm>>
          tpu.enqueue_dma source(%dma_start3A_155 : memref<8x5888xf32, #tpu.memory_space<hbm>>) target(%dma_start3A_152 : memref<8x5888xf32, #tpu.memory_space<vmem_shared>>) target_semaphore(%run_scoped3A_149 : memref<!tpu.dma_semaphore, #tpu.memory_space<semaphore_mem>>)
          %dma_wait3A = arith.constant 0 : i32
          %dma_wait3A_156 = arith.constant 0 : i32
          %dma_wait3A_157 = tpu.memref_slice %arg12[%select_n3A, %run_scoped3A_148, %dma_wait3A, %dma_wait3A_156] : memref<2x2x8x6272xf32, #tpu.memory_space<vmem_shared>> -> memref<1x1x8x5888xf32, #tpu.memory_space<vmem_shared>>
          %dma_wait3A_158 = tpu.memref_squeeze %dma_wait3A_157 : memref<1x1x8x5888xf32, #tpu.memory_space<vmem_shared>> -> memref<8x5888xf32, #tpu.memory_space<vmem_shared>>
          %dma_wait3A_159 = arith.constant 94080 : i32
          %dma_wait3A_160 = tpu.memref_slice %arg2[%select_n3A_70, %mul3A_147, %dma_wait3A_159] : memref<26x32x100001xf32, #tpu.memory_space<hbm>> -> memref<1x8x5888xf32, #tpu.memory_space<hbm>>
          %dma_wait3A_161 = tpu.memref_squeeze %dma_wait3A_160 : memref<1x8x5888xf32, #tpu.memory_space<hbm>> -> memref<8x5888xf32, #tpu.memory_space<hbm>>
          tpu.wait_dma2 semaphore(%run_scoped3A_149 : memref<!tpu.dma_semaphore, #tpu.memory_space<semaphore_mem>>) src(%dma_wait3A_161 : memref<8x5888xf32, #tpu.memory_space<hbm>>) dst(%dma_wait3A_158 : memref<8x5888xf32, #tpu.memory_space<vmem_shared>>)
          tpu.yield
        }) : () -> ()
      } else {
      }
      %barrier3A = arith.constant 0 : index
      tpu.barrier barrier_id(%barrier3A)
      %run_scoped3A = arith.constant 0 : i32
      "tpu.region"() ({
        %run_scoped3A_146 = tpu.sem_alloc : memref<!tpu.dma_semaphore, #tpu.memory_space<semaphore_mem>>
        %dma_start3A = arith.constant 87808 : i32
        %dma_start3A_147 = tpu.memref_slice %arg7[%dma_start3A] : memref<100096xf32, #tpu.memory_space<vmem>> -> memref<6272xf32, #tpu.memory_space<vmem>>
        %dma_start3A_148 = arith.constant 0 : i32
        %dma_start3A_149 = tpu.memref_slice %arg12[%select_n3A, %run_scoped3A, %select_n3A_28, %dma_start3A_148] : memref<2x2x8x6272xf32, #tpu.memory_space<vmem_shared>> -> memref<1x1x1x6272xf32, #tpu.memory_space<vmem_shared>>
        %dma_start3A_150 = tpu.memref_squeeze %dma_start3A_149 : memref<1x1x1x6272xf32, #tpu.memory_space<vmem_shared>> -> memref<6272xf32, #tpu.memory_space<vmem_shared>>
        %dma_start3A_151 = arith.constant 87808 : i32
        %dma_start3A_152 = tpu.memref_slice %arg7[%dma_start3A_151] : memref<100096xf32, #tpu.memory_space<vmem>> -> memref<6272xf32, #tpu.memory_space<vmem>>
        %dma_start3A_153 = arith.constant 0 : i32
        %dma_start3A_154 = tpu.memref_slice %arg12[%select_n3A, %run_scoped3A, %select_n3A_28, %dma_start3A_153] : memref<2x2x8x6272xf32, #tpu.memory_space<vmem_shared>> -> memref<1x1x1x6272xf32, #tpu.memory_space<vmem_shared>>
        %dma_start3A_155 = tpu.memref_squeeze %dma_start3A_154 : memref<1x1x1x6272xf32, #tpu.memory_space<vmem_shared>> -> memref<6272xf32, #tpu.memory_space<vmem_shared>>
        tpu.enqueue_dma source(%dma_start3A_155 : memref<6272xf32, #tpu.memory_space<vmem_shared>>) target(%dma_start3A_152 : memref<6272xf32, #tpu.memory_space<vmem>>) target_semaphore(%run_scoped3A_146 : memref<!tpu.dma_semaphore, #tpu.memory_space<semaphore_mem>>)
        %dma_wait3A = arith.constant 87808 : i32
        %dma_wait3A_156 = tpu.memref_slice %arg7[%dma_wait3A] : memref<100096xf32, #tpu.memory_space<vmem>> -> memref<6272xf32, #tpu.memory_space<vmem>>
        %dma_wait3A_157 = arith.constant 0 : i32
        %dma_wait3A_158 = tpu.memref_slice %arg12[%select_n3A, %run_scoped3A, %select_n3A_28, %dma_wait3A_157] : memref<2x2x8x6272xf32, #tpu.memory_space<vmem_shared>> -> memref<1x1x1x6272xf32, #tpu.memory_space<vmem_shared>>
        %dma_wait3A_159 = tpu.memref_squeeze %dma_wait3A_158 : memref<1x1x1x6272xf32, #tpu.memory_space<vmem_shared>> -> memref<6272xf32, #tpu.memory_space<vmem_shared>>
        %dma_wait3A_160 = arith.constant 87808 : i32
        %dma_wait3A_161 = tpu.memref_slice %arg7[%dma_wait3A_160] : memref<100096xf32, #tpu.memory_space<vmem>> -> memref<6272xf32, #tpu.memory_space<vmem>>
        %dma_wait3A_162 = arith.constant 0 : i32
        %dma_wait3A_163 = tpu.memref_slice %arg12[%select_n3A, %run_scoped3A, %select_n3A_28, %dma_wait3A_162] : memref<2x2x8x6272xf32, #tpu.memory_space<vmem_shared>> -> memref<1x1x1x6272xf32, #tpu.memory_space<vmem_shared>>
        %dma_wait3A_164 = tpu.memref_squeeze %dma_wait3A_163 : memref<1x1x1x6272xf32, #tpu.memory_space<vmem_shared>> -> memref<6272xf32, #tpu.memory_space<vmem_shared>>
        tpu.wait_dma2 semaphore(%run_scoped3A_146 : memref<!tpu.dma_semaphore, #tpu.memory_space<semaphore_mem>>) src(%dma_wait3A_164 : memref<6272xf32, #tpu.memory_space<vmem_shared>>) dst(%dma_wait3A_161 : memref<6272xf32, #tpu.memory_space<vmem>>)
        tpu.yield
      }) : () -> ()
      %run_scoped3A_102 = arith.constant 1 : i32
      "tpu.region"() ({
        %run_scoped3A_146 = tpu.sem_alloc : memref<!tpu.dma_semaphore, #tpu.memory_space<semaphore_mem>>
        %dma_start3A = arith.constant 94080 : i32
        %dma_start3A_147 = tpu.memref_slice %arg7[%dma_start3A] : memref<100096xf32, #tpu.memory_space<vmem>> -> memref<5888xf32, #tpu.memory_space<vmem>>
        %dma_start3A_148 = arith.constant 0 : i32
        %dma_start3A_149 = tpu.memref_slice %arg12[%select_n3A, %run_scoped3A_102, %select_n3A_28, %dma_start3A_148] : memref<2x2x8x6272xf32, #tpu.memory_space<vmem_shared>> -> memref<1x1x1x5888xf32, #tpu.memory_space<vmem_shared>>
        %dma_start3A_150 = tpu.memref_squeeze %dma_start3A_149 : memref<1x1x1x5888xf32, #tpu.memory_space<vmem_shared>> -> memref<5888xf32, #tpu.memory_space<vmem_shared>>
        %dma_start3A_151 = arith.constant 94080 : i32
        %dma_start3A_152 = tpu.memref_slice %arg7[%dma_start3A_151] : memref<100096xf32, #tpu.memory_space<vmem>> -> memref<5888xf32, #tpu.memory_space<vmem>>
        %dma_start3A_153 = arith.constant 0 : i32
        %dma_start3A_154 = tpu.memref_slice %arg12[%select_n3A, %run_scoped3A_102, %select_n3A_28, %dma_start3A_153] : memref<2x2x8x6272xf32, #tpu.memory_space<vmem_shared>> -> memref<1x1x1x5888xf32, #tpu.memory_space<vmem_shared>>
        %dma_start3A_155 = tpu.memref_squeeze %dma_start3A_154 : memref<1x1x1x5888xf32, #tpu.memory_space<vmem_shared>> -> memref<5888xf32, #tpu.memory_space<vmem_shared>>
        tpu.enqueue_dma source(%dma_start3A_155 : memref<5888xf32, #tpu.memory_space<vmem_shared>>) target(%dma_start3A_152 : memref<5888xf32, #tpu.memory_space<vmem>>) target_semaphore(%run_scoped3A_146 : memref<!tpu.dma_semaphore, #tpu.memory_space<semaphore_mem>>)
        %dma_wait3A = arith.constant 94080 : i32
        %dma_wait3A_156 = tpu.memref_slice %arg7[%dma_wait3A] : memref<100096xf32, #tpu.memory_space<vmem>> -> memref<5888xf32, #tpu.memory_space<vmem>>
        %dma_wait3A_157 = arith.constant 0 : i32
        %dma_wait3A_158 = tpu.memref_slice %arg12[%select_n3A, %run_scoped3A_102, %select_n3A_28, %dma_wait3A_157] : memref<2x2x8x6272xf32, #tpu.memory_space<vmem_shared>> -> memref<1x1x1x5888xf32, #tpu.memory_space<vmem_shared>>
        %dma_wait3A_159 = tpu.memref_squeeze %dma_wait3A_158 : memref<1x1x1x5888xf32, #tpu.memory_space<vmem_shared>> -> memref<5888xf32, #tpu.memory_space<vmem_shared>>
        %dma_wait3A_160 = arith.constant 94080 : i32
        %dma_wait3A_161 = tpu.memref_slice %arg7[%dma_wait3A_160] : memref<100096xf32, #tpu.memory_space<vmem>> -> memref<5888xf32, #tpu.memory_space<vmem>>
        %dma_wait3A_162 = arith.constant 0 : i32
        %dma_wait3A_163 = tpu.memref_slice %arg12[%select_n3A, %run_scoped3A_102, %select_n3A_28, %dma_wait3A_162] : memref<2x2x8x6272xf32, #tpu.memory_space<vmem_shared>> -> memref<1x1x1x5888xf32, #tpu.memory_space<vmem_shared>>
        %dma_wait3A_164 = tpu.memref_squeeze %dma_wait3A_163 : memref<1x1x1x5888xf32, #tpu.memory_space<vmem_shared>> -> memref<5888xf32, #tpu.memory_space<vmem_shared>>
        tpu.wait_dma2 semaphore(%run_scoped3A_146 : memref<!tpu.dma_semaphore, #tpu.memory_space<semaphore_mem>>) src(%dma_wait3A_164 : memref<5888xf32, #tpu.memory_space<vmem_shared>>) dst(%dma_wait3A_161 : memref<5888xf32, #tpu.memory_space<vmem>>)
        tpu.yield
      }) : () -> ()
      "tpu.region"() ({
        %run_scoped3A_146 = tpu.sem_alloc : memref<!tpu.dma_semaphore, #tpu.memory_space<semaphore_mem>>
        %dma_start3A = arith.constant 0 : i32
        %dma_start3A_147 = arith.constant 0 : i32
        %dma_start3A_148 = tpu.memref_slice %arg5[%select_n3A_70, %select_n3A_86, %dma_start3A, %dma_start3A_147] : memref<26x4x8x128xf32, #tpu.memory_space<hbm>> -> memref<1x1x8x128xf32, #tpu.memory_space<hbm>>
        %dma_start3A_149 = tpu.memref_squeeze %dma_start3A_148 : memref<1x1x8x128xf32, #tpu.memory_space<hbm>> -> memref<8x128xf32, #tpu.memory_space<hbm>>
        %dma_start3A_150 = arith.constant 0 : i32
        %dma_start3A_151 = arith.constant 0 : i32
        %dma_start3A_152 = tpu.memref_slice %arg5[%select_n3A_70, %select_n3A_86, %dma_start3A_150, %dma_start3A_151] : memref<26x4x8x128xf32, #tpu.memory_space<hbm>> -> memref<1x1x8x128xf32, #tpu.memory_space<hbm>>
        %dma_start3A_153 = tpu.memref_squeeze %dma_start3A_152 : memref<1x1x8x128xf32, #tpu.memory_space<hbm>> -> memref<8x128xf32, #tpu.memory_space<hbm>>
        tpu.enqueue_dma source(%dma_start3A_153 : memref<8x128xf32, #tpu.memory_space<hbm>>) target(%arg11 : memref<8x128xf32, #tpu.memory_space<vmem>>) target_semaphore(%run_scoped3A_146 : memref<!tpu.dma_semaphore, #tpu.memory_space<semaphore_mem>>)
        %dma_wait3A = arith.constant 0 : i32
        %dma_wait3A_154 = arith.constant 0 : i32
        %dma_wait3A_155 = tpu.memref_slice %arg5[%select_n3A_70, %select_n3A_86, %dma_wait3A, %dma_wait3A_154] : memref<26x4x8x128xf32, #tpu.memory_space<hbm>> -> memref<1x1x8x128xf32, #tpu.memory_space<hbm>>
        %dma_wait3A_156 = tpu.memref_squeeze %dma_wait3A_155 : memref<1x1x8x128xf32, #tpu.memory_space<hbm>> -> memref<8x128xf32, #tpu.memory_space<hbm>>
        %dma_wait3A_157 = arith.constant 0 : i32
        %dma_wait3A_158 = arith.constant 0 : i32
        %dma_wait3A_159 = tpu.memref_slice %arg5[%select_n3A_70, %select_n3A_86, %dma_wait3A_157, %dma_wait3A_158] : memref<26x4x8x128xf32, #tpu.memory_space<hbm>> -> memref<1x1x8x128xf32, #tpu.memory_space<hbm>>
        %dma_wait3A_160 = tpu.memref_squeeze %dma_wait3A_159 : memref<1x1x8x128xf32, #tpu.memory_space<hbm>> -> memref<8x128xf32, #tpu.memory_space<hbm>>
        tpu.wait_dma2 semaphore(%run_scoped3A_146 : memref<!tpu.dma_semaphore, #tpu.memory_space<semaphore_mem>>) src(%dma_wait3A_160 : memref<8x128xf32, #tpu.memory_space<hbm>>) dst(%arg11 : memref<8x128xf32, #tpu.memory_space<vmem>>)
        tpu.yield
      }) : () -> ()
      %get3A = arith.index_cast %select_n3A_28 : i32 to index
      %get3A_103 = arith.constant 0 : index
      %get3A_104 = tpu.vector_load %arg11[%get3A, %get3A_103] {strides = array<i32>} : memref<8x128xf32, #tpu.memory_space<vmem>>, vector<16xf32>,
      %swap3A = arith.constant 99968 : index
      %swap3A_105 = tpu.vector_load %arg7[%swap3A] {strides = array<i32>} : memref<100096xf32, #tpu.memory_space<vmem>>, vector<16xf32>,
      tpu.vector_store %arg7[%swap3A], %get3A_104 {strides = array<i32>} : memref<100096xf32, #tpu.memory_space<vmem>>, vector<16xf32>,
      %get3A_106 = arith.index_cast %select_n3A_28 : i32 to index
      %get3A_107 = arith.constant 16 : index
      %get3A_108 = tpu.vector_load %arg11[%get3A_106, %get3A_107] {strides = array<i32>} : memref<8x128xf32, #tpu.memory_space<vmem>>, vector<16xf32>,
      %swap3A_109 = arith.constant 99984 : index
      %swap3A_110 = tpu.vector_load %arg7[%swap3A_109] {strides = array<i32>} : memref<100096xf32, #tpu.memory_space<vmem>>, vector<16xf32>,
      tpu.vector_store %arg7[%swap3A_109], %get3A_108 {strides = array<i32>} : memref<100096xf32, #tpu.memory_space<vmem>>, vector<16xf32>,
      %get3A_111 = arith.index_cast %select_n3A_28 : i32 to index
      %get3A_112 = arith.constant 32 : index
      %get3A_113 = tpu.vector_load %arg11[%get3A_111, %get3A_112] {strides = array<i32>} : memref<8x128xf32, #tpu.memory_space<vmem>>, vector<16xf32>,
      %swap3A_114 = arith.constant 100000 : index
      %swap3A_115 = tpu.vector_load %arg7[%swap3A_114] {strides = array<i32>} : memref<100096xf32, #tpu.memory_space<vmem>>, vector<16xf32>,
      tpu.vector_store %arg7[%swap3A_114], %get3A_113 {strides = array<i32>} : memref<100096xf32, #tpu.memory_space<vmem>>, vector<16xf32>,
      %get3A_116 = arith.index_cast %select_n3A_28 : i32 to index
      %get3A_117 = arith.constant 48 : index
      %get3A_118 = tpu.vector_load %arg11[%get3A_116, %get3A_117] {strides = array<i32>} : memref<8x128xf32, #tpu.memory_space<vmem>>, vector<16xf32>,
      %swap3A_119 = arith.constant 100016 : index
      %swap3A_120 = tpu.vector_load %arg7[%swap3A_119] {strides = array<i32>} : memref<100096xf32, #tpu.memory_space<vmem>>, vector<16xf32>,
      tpu.vector_store %arg7[%swap3A_119], %get3A_118 {strides = array<i32>} : memref<100096xf32, #tpu.memory_space<vmem>>, vector<16xf32>,
      %get3A_121 = arith.index_cast %select_n3A_28 : i32 to index
      %get3A_122 = arith.constant 64 : index
      %get3A_123 = tpu.vector_load %arg11[%get3A_121, %get3A_122] {strides = array<i32>} : memref<8x128xf32, #tpu.memory_space<vmem>>, vector<16xf32>,
      %swap3A_124 = arith.constant 100032 : index
      %swap3A_125 = tpu.vector_load %arg7[%swap3A_124] {strides = array<i32>} : memref<100096xf32, #tpu.memory_space<vmem>>, vector<16xf32>,
      tpu.vector_store %arg7[%swap3A_124], %get3A_123 {strides = array<i32>} : memref<100096xf32, #tpu.memory_space<vmem>>, vector<16xf32>,
      %get3A_126 = arith.index_cast %select_n3A_28 : i32 to index
      %get3A_127 = arith.constant 80 : index
      %get3A_128 = tpu.vector_load %arg11[%get3A_126, %get3A_127] {strides = array<i32>} : memref<8x128xf32, #tpu.memory_space<vmem>>, vector<16xf32>,
      %swap3A_129 = arith.constant 100048 : index
      %swap3A_130 = tpu.vector_load %arg7[%swap3A_129] {strides = array<i32>} : memref<100096xf32, #tpu.memory_space<vmem>>, vector<16xf32>,
      tpu.vector_store %arg7[%swap3A_129], %get3A_128 {strides = array<i32>} : memref<100096xf32, #tpu.memory_space<vmem>>, vector<16xf32>,
      %get3A_131 = arith.index_cast %select_n3A_28 : i32 to index
      %get3A_132 = arith.constant 96 : index
      %get3A_133 = tpu.vector_load %arg11[%get3A_131, %get3A_132] {strides = array<i32>} : memref<8x128xf32, #tpu.memory_space<vmem>>, vector<16xf32>,
      %swap3A_134 = arith.constant 100064 : index
      %swap3A_135 = tpu.vector_load %arg7[%swap3A_134] {strides = array<i32>} : memref<100096xf32, #tpu.memory_space<vmem>>, vector<16xf32>,
      tpu.vector_store %arg7[%swap3A_134], %get3A_133 {strides = array<i32>} : memref<100096xf32, #tpu.memory_space<vmem>>, vector<16xf32>,
      %get3A_136 = arith.index_cast %select_n3A_28 : i32 to index
      %get3A_137 = arith.constant 112 : index
      %get3A_138 = tpu.vector_load %arg11[%get3A_136, %get3A_137] {strides = array<i32>} : memref<8x128xf32, #tpu.memory_space<vmem>>, vector<16xf32>,
      %swap3A_139 = arith.constant 100080 : index
      %swap3A_140 = tpu.vector_load %arg7[%swap3A_139] {strides = array<i32>} : memref<100096xf32, #tpu.memory_space<vmem>>, vector<16xf32>,
      tpu.vector_store %arg7[%swap3A_139], %get3A_138 {strides = array<i32>} : memref<100096xf32, #tpu.memory_space<vmem>>, vector<16xf32>,
      %scan3A_141 = arith.constant 0 : i32
      %scan3A_142 = arith.constant 4 : i32
      %scan3A_143 = arith.addi %scan3A_141, %scan3A_142 : i32
      %scan3A_144 = arith.constant 1 : i32
      scf.for %scan3A_146 = %scan3A_141 to %scan3A_143 step %scan3A_144  : i32 {
        %mul3A_147 = arith.constant 32 : i32
        %mul3A_148 = arith.muli %scan3A_146, %mul3A_147 : i32
        "tpu.region"() ({
          %run_scoped3A_161 = tpu.sem_alloc : memref<!tpu.dma_semaphore, #tpu.memory_space<semaphore_mem>>
          %dma_start3A = arith.constant 0 : i32
          %dma_start3A_162 = tpu.memref_slice %arg3[%select_n3A_70, %mul3A_148, %dma_start3A] : memref<26x128x128xi32, #tpu.memory_space<hbm>> -> memref<1x32x128xi32, #tpu.memory_space<hbm>>
          %dma_start3A_163 = tpu.memref_squeeze %dma_start3A_162 : memref<1x32x128xi32, #tpu.memory_space<hbm>> -> memref<32x128xi32, #tpu.memory_space<hbm>>
          %dma_start3A_164 = arith.constant 0 : i32
          %dma_start3A_165 = tpu.memref_slice %arg3[%select_n3A_70, %mul3A_148, %dma_start3A_164] : memref<26x128x128xi32, #tpu.memory_space<hbm>> -> memref<1x32x128xi32, #tpu.memory_space<hbm>>
          %dma_start3A_166 = tpu.memref_squeeze %dma_start3A_165 : memref<1x32x128xi32, #tpu.memory_space<hbm>> -> memref<32x128xi32, #tpu.memory_space<hbm>>
          tpu.enqueue_dma source(%dma_start3A_166 : memref<32x128xi32, #tpu.memory_space<hbm>>) target(%arg8 : memref<32x128xi32, #tpu.memory_space<vmem>>) target_semaphore(%run_scoped3A_161 : memref<!tpu.dma_semaphore, #tpu.memory_space<semaphore_mem>>)
          %dma_wait3A = arith.constant 0 : i32
          %dma_wait3A_167 = tpu.memref_slice %arg3[%select_n3A_70, %mul3A_148, %dma_wait3A] : memref<26x128x128xi32, #tpu.memory_space<hbm>> -> memref<1x32x128xi32, #tpu.memory_space<hbm>>
          %dma_wait3A_168 = tpu.memref_squeeze %dma_wait3A_167 : memref<1x32x128xi32, #tpu.memory_space<hbm>> -> memref<32x128xi32, #tpu.memory_space<hbm>>
          %dma_wait3A_169 = arith.constant 0 : i32
          %dma_wait3A_170 = tpu.memref_slice %arg3[%select_n3A_70, %mul3A_148, %dma_wait3A_169] : memref<26x128x128xi32, #tpu.memory_space<hbm>> -> memref<1x32x128xi32, #tpu.memory_space<hbm>>
          %dma_wait3A_171 = tpu.memref_squeeze %dma_wait3A_170 : memref<1x32x128xi32, #tpu.memory_space<hbm>> -> memref<32x128xi32, #tpu.memory_space<hbm>>
          tpu.wait_dma2 semaphore(%run_scoped3A_161 : memref<!tpu.dma_semaphore, #tpu.memory_space<semaphore_mem>>) src(%dma_wait3A_171 : memref<32x128xi32, #tpu.memory_space<hbm>>) dst(%arg8 : memref<32x128xi32, #tpu.memory_space<vmem>>)
          tpu.yield
        }) : () -> ()
        %scan3A_149 = arith.constant 0 : i32
        %scan3A_150 = arith.constant 32 : i32
        %scan3A_151 = arith.addi %scan3A_149, %scan3A_150 : i32
        %scan3A_152 = arith.constant 1 : i32
        scf.for %scan3A_161 = %scan3A_149 to %scan3A_151 step %scan3A_152  : i32 {
          %get3A_162 = arith.index_cast %scan3A_161 : i32 to index
          %get3A_163 = arith.constant 0 : index
          %get3A_164 = tpu.vector_load %arg8[%get3A_162, %get3A_163] {strides = array<i32>} : memref<32x128xi32, #tpu.memory_space<vmem>>, vector<16xi32>,
          %gather3A = tpu.vector_load_idx %arg7[%get3A_164] : memref<100096xf32, #tpu.memory_space<vmem>>[vector<16xi32>], vector<16xf32>,
          %swap3A_165 = arith.index_cast %scan3A_161 : i32 to index
          %swap3A_166 = arith.constant 0 : index
          %swap3A_167 = tpu.vector_load %arg9[%swap3A_165, %swap3A_166] {strides = array<i32>} : memref<32x128xf32, #tpu.memory_space<vmem>>, vector<16xf32>,
          tpu.vector_store %arg9[%swap3A_165, %swap3A_166], %gather3A {strides = array<i32>} : memref<32x128xf32, #tpu.memory_space<vmem>>, vector<16xf32>,
          %get3A_168 = arith.index_cast %scan3A_161 : i32 to index
          %get3A_169 = arith.constant 16 : index
          %get3A_170 = tpu.vector_load %arg8[%get3A_168, %get3A_169] {strides = array<i32>} : memref<32x128xi32, #tpu.memory_space<vmem>>, vector<16xi32>,
          %gather3A_171 = tpu.vector_load_idx %arg7[%get3A_170] : memref<100096xf32, #tpu.memory_space<vmem>>[vector<16xi32>], vector<16xf32>,
          %swap3A_172 = arith.index_cast %scan3A_161 : i32 to index
          %swap3A_173 = arith.constant 16 : index
          %swap3A_174 = tpu.vector_load %arg9[%swap3A_172, %swap3A_173] {strides = array<i32>} : memref<32x128xf32, #tpu.memory_space<vmem>>, vector<16xf32>,
          tpu.vector_store %arg9[%swap3A_172, %swap3A_173], %gather3A_171 {strides = array<i32>} : memref<32x128xf32, #tpu.memory_space<vmem>>, vector<16xf32>,
          %get3A_175 = arith.index_cast %scan3A_161 : i32 to index
          %get3A_176 = arith.constant 32 : index
          %get3A_177 = tpu.vector_load %arg8[%get3A_175, %get3A_176] {strides = array<i32>} : memref<32x128xi32, #tpu.memory_space<vmem>>, vector<16xi32>,
          %gather3A_178 = tpu.vector_load_idx %arg7[%get3A_177] : memref<100096xf32, #tpu.memory_space<vmem>>[vector<16xi32>], vector<16xf32>,
          %swap3A_179 = arith.index_cast %scan3A_161 : i32 to index
          %swap3A_180 = arith.constant 32 : index
          %swap3A_181 = tpu.vector_load %arg9[%swap3A_179, %swap3A_180] {strides = array<i32>} : memref<32x128xf32, #tpu.memory_space<vmem>>, vector<16xf32>,
          tpu.vector_store %arg9[%swap3A_179, %swap3A_180], %gather3A_178 {strides = array<i32>} : memref<32x128xf32, #tpu.memory_space<vmem>>, vector<16xf32>,
          %get3A_182 = arith.index_cast %scan3A_161 : i32 to index
          %get3A_183 = arith.constant 48 : index
          %get3A_184 = tpu.vector_load %arg8[%get3A_182, %get3A_183] {strides = array<i32>} : memref<32x128xi32, #tpu.memory_space<vmem>>, vector<16xi32>,
          %gather3A_185 = tpu.vector_load_idx %arg7[%get3A_184] : memref<100096xf32, #tpu.memory_space<vmem>>[vector<16xi32>], vector<16xf32>,
          %swap3A_186 = arith.index_cast %scan3A_161 : i32 to index
          %swap3A_187 = arith.constant 48 : index
          %swap3A_188 = tpu.vector_load %arg9[%swap3A_186, %swap3A_187] {strides = array<i32>} : memref<32x128xf32, #tpu.memory_space<vmem>>, vector<16xf32>,
          tpu.vector_store %arg9[%swap3A_186, %swap3A_187], %gather3A_185 {strides = array<i32>} : memref<32x128xf32, #tpu.memory_space<vmem>>, vector<16xf32>,
          %get3A_189 = arith.index_cast %scan3A_161 : i32 to index
          %get3A_190 = arith.constant 64 : index
          %get3A_191 = tpu.vector_load %arg8[%get3A_189, %get3A_190] {strides = array<i32>} : memref<32x128xi32, #tpu.memory_space<vmem>>, vector<16xi32>,
          %gather3A_192 = tpu.vector_load_idx %arg7[%get3A_191] : memref<100096xf32, #tpu.memory_space<vmem>>[vector<16xi32>], vector<16xf32>,
          %swap3A_193 = arith.index_cast %scan3A_161 : i32 to index
          %swap3A_194 = arith.constant 64 : index
          %swap3A_195 = tpu.vector_load %arg9[%swap3A_193, %swap3A_194] {strides = array<i32>} : memref<32x128xf32, #tpu.memory_space<vmem>>, vector<16xf32>,
          tpu.vector_store %arg9[%swap3A_193, %swap3A_194], %gather3A_192 {strides = array<i32>} : memref<32x128xf32, #tpu.memory_space<vmem>>, vector<16xf32>,
          %get3A_196 = arith.index_cast %scan3A_161 : i32 to index
          %get3A_197 = arith.constant 80 : index
          %get3A_198 = tpu.vector_load %arg8[%get3A_196, %get3A_197] {strides = array<i32>} : memref<32x128xi32, #tpu.memory_space<vmem>>, vector<16xi32>,
          %gather3A_199 = tpu.vector_load_idx %arg7[%get3A_198] : memref<100096xf32, #tpu.memory_space<vmem>>[vector<16xi32>], vector<16xf32>,
          %swap3A_200 = arith.index_cast %scan3A_161 : i32 to index
          %swap3A_201 = arith.constant 80 : index
          %swap3A_202 = tpu.vector_load %arg9[%swap3A_200, %swap3A_201] {strides = array<i32>} : memref<32x128xf32, #tpu.memory_space<vmem>>, vector<16xf32>,
          tpu.vector_store %arg9[%swap3A_200, %swap3A_201], %gather3A_199 {strides = array<i32>} : memref<32x128xf32, #tpu.memory_space<vmem>>, vector<16xf32>,
          %get3A_203 = arith.index_cast %scan3A_161 : i32 to index
          %get3A_204 = arith.constant 96 : index
          %get3A_205 = tpu.vector_load %arg8[%get3A_203, %get3A_204] {strides = array<i32>} : memref<32x128xi32, #tpu.memory_space<vmem>>, vector<16xi32>,
          %gather3A_206 = tpu.vector_load_idx %arg7[%get3A_205] : memref<100096xf32, #tpu.memory_space<vmem>>[vector<16xi32>], vector<16xf32>,
          %swap3A_207 = arith.index_cast %scan3A_161 : i32 to index
          %swap3A_208 = arith.constant 96 : index
          %swap3A_209 = tpu.vector_load %arg9[%swap3A_207, %swap3A_208] {strides = array<i32>} : memref<32x128xf32, #tpu.memory_space<vmem>>, vector<16xf32>,
          tpu.vector_store %arg9[%swap3A_207, %swap3A_208], %gather3A_206 {strides = array<i32>} : memref<32x128xf32, #tpu.memory_space<vmem>>, vector<16xf32>,
          %get3A_210 = arith.index_cast %scan3A_161 : i32 to index
          %get3A_211 = arith.constant 112 : index
          %get3A_212 = tpu.vector_load %arg8[%get3A_210, %get3A_211] {strides = array<i32>} : memref<32x128xi32, #tpu.memory_space<vmem>>, vector<16xi32>,
          %gather3A_213 = tpu.vector_load_idx %arg7[%get3A_212] : memref<100096xf32, #tpu.memory_space<vmem>>[vector<16xi32>], vector<16xf32>,
          %swap3A_214 = arith.index_cast %scan3A_161 : i32 to index
          %swap3A_215 = arith.constant 112 : index
          %swap3A_216 = tpu.vector_load %arg9[%swap3A_214, %swap3A_215] {strides = array<i32>} : memref<32x128xf32, #tpu.memory_space<vmem>>, vector<16xf32>,
          tpu.vector_store %arg9[%swap3A_214, %swap3A_215], %gather3A_213 {strides = array<i32>} : memref<32x128xf32, #tpu.memory_space<vmem>>, vector<16xf32>,
        }
        %scan3A_153 = arith.constant 32 : i32
        "tpu.region"() ({
          %run_scoped3A_161 = tpu.sem_alloc : memref<!tpu.dma_semaphore, #tpu.memory_space<semaphore_mem>>
          %dma_start3A = arith.constant 0 : i32
          %dma_start3A_162 = arith.constant 0 : i32
          %dma_start3A_163 = tpu.memref_slice %arg13[%select_n3A, %dma_start3A, %select_n3A_28, %dma_start3A_162] : memref<2x32x8x128xf32, #tpu.memory_space<vmem_shared>> -> memref<1x32x1x128xf32, #tpu.memory_space<vmem_shared>>
          %dma_start3A_164 = tpu.memref_squeeze %dma_start3A_163 : memref<1x32x1x128xf32, #tpu.memory_space<vmem_shared>> -> memref<32x128xf32, #tpu.memory_space<vmem_shared>>
          %dma_start3A_165 = arith.constant 0 : i32
          %dma_start3A_166 = arith.constant 0 : i32
          %dma_start3A_167 = tpu.memref_slice %arg13[%select_n3A, %dma_start3A_165, %select_n3A_28, %dma_start3A_166] : memref<2x32x8x128xf32, #tpu.memory_space<vmem_shared>> -> memref<1x32x1x128xf32, #tpu.memory_space<vmem_shared>>
          %dma_start3A_168 = tpu.memref_squeeze %dma_start3A_167 : memref<1x32x1x128xf32, #tpu.memory_space<vmem_shared>> -> memref<32x128xf32, #tpu.memory_space<vmem_shared>>
          tpu.enqueue_dma source(%arg9 : memref<32x128xf32, #tpu.memory_space<vmem>>) target(%dma_start3A_168 : memref<32x128xf32, #tpu.memory_space<vmem_shared>>) target_semaphore(%run_scoped3A_161 : memref<!tpu.dma_semaphore, #tpu.memory_space<semaphore_mem>>)
          %dma_wait3A = arith.constant 0 : i32
          %dma_wait3A_169 = arith.constant 0 : i32
          %dma_wait3A_170 = tpu.memref_slice %arg13[%select_n3A, %dma_wait3A, %select_n3A_28, %dma_wait3A_169] : memref<2x32x8x128xf32, #tpu.memory_space<vmem_shared>> -> memref<1x32x1x128xf32, #tpu.memory_space<vmem_shared>>
          %dma_wait3A_171 = tpu.memref_squeeze %dma_wait3A_170 : memref<1x32x1x128xf32, #tpu.memory_space<vmem_shared>> -> memref<32x128xf32, #tpu.memory_space<vmem_shared>>
          %dma_wait3A_172 = arith.constant 0 : i32
          %dma_wait3A_173 = arith.constant 0 : i32
          %dma_wait3A_174 = tpu.memref_slice %arg13[%select_n3A, %dma_wait3A_172, %select_n3A_28, %dma_wait3A_173] : memref<2x32x8x128xf32, #tpu.memory_space<vmem_shared>> -> memref<1x32x1x128xf32, #tpu.memory_space<vmem_shared>>
          %dma_wait3A_175 = tpu.memref_squeeze %dma_wait3A_174 : memref<1x32x1x128xf32, #tpu.memory_space<vmem_shared>> -> memref<32x128xf32, #tpu.memory_space<vmem_shared>>
          tpu.wait_dma2 semaphore(%run_scoped3A_161 : memref<!tpu.dma_semaphore, #tpu.memory_space<semaphore_mem>>) src(%arg9 : memref<32x128xf32, #tpu.memory_space<vmem>>) dst(%dma_wait3A_175 : memref<32x128xf32, #tpu.memory_space<vmem_shared>>)
          tpu.yield
        }) : () -> ()
        %barrier3A_154 = arith.constant 0 : index
        tpu.barrier barrier_id(%barrier3A_154)
        %eq3A_155 = arith.constant 0 : i32
        %eq3A_156 = arith.cmpi eq, %select_n3A_28, %eq3A_155 : i32
        %convert_element_type3A_157 = arith.extui %eq3A_156 : i1 to i32
        %cond3A_158 = arith.constant 0 : i32
        %cond3A_159 = arith.cmpi ne, %convert_element_type3A_157, %cond3A_158 : i32
        scf.if %cond3A_159 {
          %mul3A_161 = arith.constant 32 : i32
          %mul3A_162 = arith.muli %scan3A_146, %mul3A_161 : i32
          "tpu.region"() ({
            %run_scoped3A_163 = tpu.sem_alloc : memref<!tpu.dma_semaphore, #tpu.memory_space<semaphore_mem>>
            %dma_start3A = arith.constant 0 : i32
            %dma_start3A_164 = arith.constant 0 : i32
            %dma_start3A_165 = tpu.memref_slice %arg6[%add3A_88, %select_n3A_86, %mul3A_162, %dma_start3A, %dma_start3A_164] : memref<39x4x128x8x128xf32, #tpu.memory_space<hbm>> -> memref<1x1x32x8x128xf32, #tpu.memory_space<hbm>>
            %dma_start3A_166 = tpu.memref_squeeze %dma_start3A_165 : memref<1x1x32x8x128xf32, #tpu.memory_space<hbm>> -> memref<32x8x128xf32, #tpu.memory_space<hbm>>
            %dma_start3A_167 = arith.constant 0 : i32
            %dma_start3A_168 = arith.constant 0 : i32
            %dma_start3A_169 = arith.constant 0 : i32
            %dma_start3A_170 = tpu.memref_slice %arg13[%select_n3A, %dma_start3A_167, %dma_start3A_168, %dma_start3A_169] : memref<2x32x8x128xf32, #tpu.memory_space<vmem_shared>> -> memref<1x32x8x128xf32, #tpu.memory_space<vmem_shared>>
            %dma_start3A_171 = tpu.memref_squeeze %dma_start3A_170 : memref<1x32x8x128xf32, #tpu.memory_space<vmem_shared>> -> memref<32x8x128xf32, #tpu.memory_space<vmem_shared>>
            tpu.enqueue_dma source(%dma_start3A_171 : memref<32x8x128xf32, #tpu.memory_space<vmem_shared>>) target(%dma_start3A_166 : memref<32x8x128xf32, #tpu.memory_space<hbm>>) target_semaphore(%run_scoped3A_163 : memref<!tpu.dma_semaphore, #tpu.memory_space<semaphore_mem>>)
            %dma_wait3A = arith.constant 0 : i32
            %dma_wait3A_172 = arith.constant 0 : i32
            %dma_wait3A_173 = tpu.memref_slice %arg6[%add3A_88, %select_n3A_86, %mul3A_162, %dma_wait3A, %dma_wait3A_172] : memref<39x4x128x8x128xf32, #tpu.memory_space<hbm>> -> memref<1x1x32x8x128xf32, #tpu.memory_space<hbm>>
            %dma_wait3A_174 = tpu.memref_squeeze %dma_wait3A_173 : memref<1x1x32x8x128xf32, #tpu.memory_space<hbm>> -> memref<32x8x128xf32, #tpu.memory_space<hbm>>
            %dma_wait3A_175 = arith.constant 0 : i32
            %dma_wait3A_176 = arith.constant 0 : i32
            %dma_wait3A_177 = arith.constant 0 : i32
            %dma_wait3A_178 = tpu.memref_slice %arg13[%select_n3A, %dma_wait3A_175, %dma_wait3A_176, %dma_wait3A_177] : memref<2x32x8x128xf32, #tpu.memory_space<vmem_shared>> -> memref<1x32x8x128xf32, #tpu.memory_space<vmem_shared>>
            %dma_wait3A_179 = tpu.memref_squeeze %dma_wait3A_178 : memref<1x32x8x128xf32, #tpu.memory_space<vmem_shared>> -> memref<32x8x128xf32, #tpu.memory_space<vmem_shared>>
            tpu.wait_dma2 semaphore(%run_scoped3A_163 : memref<!tpu.dma_semaphore, #tpu.memory_space<semaphore_mem>>) src(%dma_wait3A_179 : memref<32x8x128xf32, #tpu.memory_space<vmem_shared>>) dst(%dma_wait3A_174 : memref<32x8x128xf32, #tpu.memory_space<hbm>>)
            tpu.yield
          }) : () -> ()
        } else {
        }
        %barrier3A_160 = arith.constant 0 : index
        tpu.barrier barrier_id(%barrier3A_160)
      }
      %scan3A_145 = arith.constant 4 : i32
    }
    %scan3A_39 = arith.constant 26 : i32
    return
  }
}

module attributes {stable_mosaic.version = 14 : i64} {
  func.func @mm(%arg0: i32, %arg1: memref<13x416xf32, #tpu.memory_space<vmem>>, %arg2: memref<13x2048xf32, #tpu.memory_space<vmem>>, %arg3: memref<416x128xf32, #tpu.memory_space<vmem>>, %arg4: memref<416x2048xf32, #tpu.memory_space<vmem>>) attributes {dimension_semantics = [#tpu.dimension_semantics<arbitrary>], iteration_bounds = array<i64: 8>, scalar_prefetch = 0 : i64, scratch_operands = 0 : i64, tpu.core_type = #tpu.core_type<tc>, window_params = [{pipeline_mode = #tpu.pipeline_mode<synchronous>, transform_indices = @transform_0, window_bounds = array<i64: 13, 416>}, {transform_indices = @transform_1, window_bounds = array<i64: 13, 2048>}, {pipeline_mode = #tpu.pipeline_mode<synchronous>, transform_indices = @transform_2, window_bounds = array<i64: 416, 128>}, {transform_indices = @transform_3, window_bounds = array<i64: 416, 2048>}]} {
    %get3A = arith.constant 0 : index
    %get3A_0 = arith.constant 0 : index
    %get3A_1 = vector.load %arg1[%get3A, %get3A_0] : memref<13x416xf32, #tpu.memory_space<vmem>>, vector<13x416xf32>
    %get3A_2 = arith.constant 0 : index
    %get3A_3 = arith.constant 0 : index
    %get3A_4 = vector.load %arg2[%get3A_2, %get3A_3] : memref<13x2048xf32, #tpu.memory_space<vmem>>, vector<13x2048xf32>
    %dot_general3A = arith.constant dense<0.000000e+00> : vector<416x2048xf32>
    %dot_general3A_5 = tpu.matmul %get3A_1, %get3A_4, %dot_general3A {dimension_numbers = #tpu.dot_dimension_numbers<[0], [0], [1], [1], [0, 1, 1, 1], [], []>, transpose_lhs_hint = false} : vector<13x416xf32>, vector<13x2048xf32>, vector<416x2048xf32> -> vector<416x2048xf32>
    %get3A_6 = arith.constant 0 : index
    %get3A_7 = arith.constant 0 : index
    %get3A_8 = vector.load %arg3[%get3A_6, %get3A_7] : memref<416x128xf32, #tpu.memory_space<vmem>>, vector<416x1xf32>
    %add3A = vector.broadcast %get3A_8 : vector<416x1xf32> to vector<416x2048xf32>
    %add3A_9 = arith.addf %dot_general3A_5, %add3A : vector<416x2048xf32>
    %swap3A = arith.constant 0 : index
    %swap3A_10 = arith.constant 0 : index
    %swap3A_11 = vector.load %arg4[%swap3A, %swap3A_10] : memref<416x2048xf32, #tpu.memory_space<vmem>>, vector<416x2048xf32>
    tpu.vector_store %arg4[%swap3A, %swap3A_10], %add3A_9 {strides = array<i32>} : memref<416x2048xf32, #tpu.memory_space<vmem>>, vector<416x2048xf32>,
    return
  }
  func.func @transform_0(%arg0: i32) -> (i32, i32) {
    %c0_i32 = arith.constant 0 : i32
    %c0_i32_0 = arith.constant 0 : i32
    %c0_i32_1 = arith.constant 0 : i32
    return %c0_i32, %c0_i32_0 : i32, i32
  }
  func.func @transform_1(%arg0: i32) -> (i32, i32) {
    %c0_i32 = arith.constant 0 : i32
    %c0_i32_0 = arith.constant 0 : i32
    return %c0_i32, %arg0 : i32, i32
  }
  func.func @transform_2(%arg0: i32) -> (i32, i32) {
    %c0_i32 = arith.constant 0 : i32
    %c0_i32_0 = arith.constant 0 : i32
    %c0_i32_1 = arith.constant 0 : i32
    return %c0_i32, %c0_i32_0 : i32, i32
  }
  func.func @transform_3(%arg0: i32) -> (i32, i32) {
    %c0_i32 = arith.constant 0 : i32
    %c0_i32_0 = arith.constant 0 : i32
    return %c0_i32, %arg0 : i32, i32
  }
}

</mosaic_0001>

<sc_bundles>
// kernel: kernel.4.cloned.1.call-start
scs
__scs_entry_jumppad:
0x0: {  	(pc) =	sbr.rel $0x88, $3  }
0x1: {  	(tag) =	ssettag $0x0;
	lr =	simm.s32 $0x1  }
0x2: {  	[smem:$0x3F9C] =	sst lr;
	_ =	strace $0xD0000000  }
0x3: {  	_ = 	snop  }
0x4: {  	_ = 	snop  }
0x5: {  	_ = 	snop  }
0x6: {  	_ = 	snop  }
0x7: {  	_ = 	snop  }
__scs_overlays_trampoline_lowered:
0x8: {  	[smem:$0x3FAB] =	sst s0  }
0x9: {  	[smem:$0x3FAC] =	sst s1  }
0xa: {  	[smem:$0x3FAD] =	sst s2  }
0xb: {  	[smem:$0x3FAE] =	sst s3  }
0xc: {  	[smem:$0x3FAF] =	sst s4  }
0xd: {  	[smem:$0x3FB0] =	sst s5  }
0xe: {  	[smem:$0x3FB1] =	sst s6  }
0xf: {  	[smem:$0x3FB2] =	sst s7  }
0x10: {  	[smem:$0x3FB3] =	sst s8  }
0x11: {  	[smem:$0x3FB4] =	sst s9;
	s0 =	simm.s32 @!p0 $0x0  }
0x12: {  	s1 =	sld [smem:$0x3F9A];
	s0 =	simm.s32 @p0 $0x1  }
0x13: {  	[smem:$0x3FB5] =	sst s0;
	s0 =	simm.s32 @!p1 $0x0  }
0x14: {  	s2 =	sld [smem:$0x3F99];
	s0 =	simm.s32 @p1 $0x1  }
0x15: {  	[smem:$0x3FB6] =	sst s0;
	s0 =	simm.s32 @!p2 $0x0  }
0x16: {  	s3 =	sld [smem:$0x3FDB];
	s0 =	simm.s32 @p2 $0x1  }
0x17: {  	s4 =	simm.s32 $0x1BF5;
	[smem:$0x3FB8] =	sst s0  }
0x18: {  	s0 =	sld [smem:$0x3F9B];
	_ =	swait.ge [sflag:s4], $0x0  }
0x19: {  	s7 =	sld [smem:$0x3F9C]  }
0x1a: {  	s8 =	sadd.s32 $0xFFFFE003, lr  }
0x1b: {  	s9 =	sadd.s32 $0xFFFFFEF7, lr;
	s5 =	simm.s32 $0xFFFFFFFF;
	p2 =	slt.u32 s8, $0xFFFFF086  }
0x1c: {  	p1 =	slt.u32 s9, $0xF7A;
	s5 =	simm.s32 @!p2 $0x0  }
0x1d: {  	s5 =	simm.s32 @p1 $0x1;
	p0 =	seq.s32 s7, s2  }
0x1e: {  	s7 =	smul.u32 @!p0 $0xF7A, s2;
	p2 =	seq.s32 @!p0 s5, $0x0  }
0x1f: {  	s9 =	smul.u32 $0xF7A, s1;
	s8 =	simm.s32 @!p0 $0x1BF5;
	p2 =	por !p2, p0  }
0x20: {  	[sflag:s8] =	ssyncset.s32 @!p0 $0xFFFFF086;
	s6 =	sadd.s32 @!p0 s3, s7;
	s7 =	simm.s32 @!p0 $0x108  }
0x21: {  	s3 =	sadd.s32 s3, s9;
	s6 =	sadd.s32 @!p0 $0x88, s6;
	s7 =	simm.s32 @p2 $0x1082  }
0x22: {  	[simem:s7], [sflag:s8] =	dma.local @!p0 [hbm:s6], $0xF7A  }
0x23: {  	s9 =	sor.u32 $0xD0000000, s2;
	s6 =	simm.s32 $0x108;
	_ =	swait.ge @!p0 [sflag:s8], $0x0  }
0x24: {  	s3 =	sadd.s32 $0x88, s3;
	s6 =	simm.s32 @!p1 $0x1082;
	[sflag:s4] =	ssyncset.s32 $0xFFFFF086  }
0x25: {  	[simem:s6], [sflag:s4] =	dma.local [hbm:s3], $0xF7A  }
0x26: {  	[smem:$0x3F9C] =	sst s1;
	(tag) =	ssettag s2;
	_ =	strace s9  }
0x27: {  	s1 =	sld [smem:$0x3FAC]  }
0x28: {  	s2 =	sld [smem:$0x3FAD]  }
0x29: {  	s4 =	sld [smem:$0x3FAF]  }
0x2a: {  	p0 =	seq.s32 s5, $0x0;
	s5 =	sld [smem:$0x3FB0]  }
0x2b: {  	s6 =	sld [smem:$0x3FB1]  }
0x2c: {  	s7 =	sld [smem:$0x3FB2]  }
0x2d: {  	s3 =	simm.s32 $0x108;
	s8 =	sld [smem:$0x3FB3]  }
0x2e: {  	s3 =	simm.s32 @!p0 $0x1082;
	s9 =	sld [smem:$0x3FB4]  }
0x2f: {  	lr =	sadd.s32 s0, s3;
	s0 =	sld [smem:$0x3FAB]  }
0x30: {  	s3 =	sld [smem:$0x3FAE]  }
0x31: {  	[smem:$0x3FB7] =	sst s10  }
0x32: {  	s10 =	sld [smem:$0x3FB5];
	_ =	sdelay $0x3  }
0x33: {  	p0 =	seq.s32 s10, $0x1;
	s10 =	sld [smem:$0x3FB7];
	_ =	sdelay $0x3  }
0x34: {  	[smem:$0x3FB7] =	sst s10  }
0x35: {  	s10 =	sld [smem:$0x3FB6];
	_ =	sdelay $0x3  }
0x36: {  	p1 =	seq.s32 s10, $0x1;
	s10 =	sld [smem:$0x3FB7];
	_ =	sdelay $0x3  }
0x37: {  	[smem:$0x3FB7] =	sst s10  }
0x38: {  	s10 =	sld [smem:$0x3FB8]  }
0x39: {  	_ = 	snop;
	(pc) =	sbr.ind lr, $3  }
0x3a: {  	_ = 	snop  }
0x3b: {  	_ = 	snop  }
0x3c: {  	p2 =	seq.s32 s10, $0x1;
	s10 =	sld [smem:$0x3FB7]  }
0x3d: {  	_ =	shalt  }
0x3e: {  	_ =	shalt  }
0x3f: {  	_ =	shalt  }
0x40: {  	_ =	shalt  }
0x41: {  	_ =	shalt  }
0x42: {  	_ =	shalt  }
0x43: {  	_ =	shalt  }
0x44: {  	_ =	shalt  }
0x45: {  	_ =	shalt  }
0x46: {  	_ =	shalt  }
0x47: {  	_ =	shalt  }
0x48: {  	_ =	shalt  }
0x49: {  	_ =	shalt  }
0x4a: {  	_ =	shalt  }
0x4b: {  	_ =	shalt  }
0x4c: {  	_ =	shalt  }
0x4d: {  	_ =	shalt  }
0x4e: {  	_ =	shalt  }
0x4f: {  	_ =	shalt  }
0x50: {  	_ =	shalt  }
0x51: {  	_ =	shalt  }
0x52: {  	_ =	shalt  }
0x53: {  	_ =	shalt  }
0x54: {  	_ =	shalt  }
0x55: {  	_ =	shalt  }
0x56: {  	_ =	shalt  }
0x57: {  	_ =	shalt  }
0x58: {  	_ =	shalt  }
0x59: {  	_ =	shalt  }
0x5a: {  	_ =	shalt  }
0x5b: {  	_ =	shalt  }
0x5c: {  	_ =	shalt  }
0x5d: {  	_ =	shalt  }
0x5e: {  	_ =	shalt  }
0x5f: {  	_ =	shalt  }
0x60: {  	_ =	shalt  }
0x61: {  	_ =	shalt  }
0x62: {  	_ =	shalt  }
0x63: {  	_ =	shalt  }
0x64: {  	_ =	shalt  }
0x65: {  	_ =	shalt  }
0x66: {  	_ =	shalt  }
0x67: {  	_ =	shalt  }
0x68: {  	_ =	shalt  }
0x69: {  	_ =	shalt  }
0x6a: {  	_ =	shalt  }
0x6b: {  	_ =	shalt  }
0x6c: {  	_ =	shalt  }
0x6d: {  	_ =	shalt  }
0x6e: {  	_ =	shalt  }
0x6f: {  	_ =	shalt  }
0x70: {  	_ =	shalt  }
0x71: {  	_ =	shalt  }
0x72: {  	_ =	shalt  }
0x73: {  	_ =	shalt  }
0x74: {  	_ =	shalt  }
0x75: {  	_ =	shalt  }
0x76: {  	_ =	shalt  }
0x77: {  	_ =	shalt  }
0x78: {  	_ =	shalt  }
0x79: {  	_ =	shalt  }
0x7a: {  	_ =	shalt  }
0x7b: {  	_ =	shalt  }
0x7c: {  	_ =	shalt  }
0x7d: {  	_ =	shalt  }
0x7e: {  	_ =	shalt  }
0x7f: {  	_ =	shalt  }
0x80: {  	_ =	shalt  }
0x81: {  	_ =	shalt  }
0x82: {  	_ =	shalt  }
0x83: {  	_ =	shalt  }
0x84: {  	_ =	shalt  }
0x85: {  	_ =	shalt  }
0x86: {  	_ =	shalt  }
0x87: {  	_ =	shalt  }
.Lfunc_end0:
.L_simem_size_0:
called_computation_lowered:
.L_overlay_start_0:
0x88: {  	s2 =	sld [smem:$0x3FD9]  }
0x89: {  	s3 =	sld [smem:$0x3FFE];
	_ =	sdelay $0x1  }
0x8a: {  	s1 =	srdreg.scid  }
0x8b: {  	s0 =	sand.u32 $0x1, s1  }
0x8c: {  	s17 =	sshll.u32 s0, $0xA;
	s2 =	sadd.s32 s3, s2  }
0x8d: {  	s2 =	sadd.s32 s2, s17  }
0x8e: {  	[smem:$0x3FC3] =	sst s2  }
0x8f: {  	_ = 	snop  }
0x90: {  	s2 =	sld [smem:$0x3FC5]  }
0x91: {  	s18 =	sld [smem:$0x3FD0];
	(tm) =	ssettm $0x1  }
0x92: {  	s4 =	sld [smem:$0x3FFB];
	_ =	sdelay $0x3  }
0x93: {  	_ =	strace s4  }
0x94: {  	s4 =	sld [smem:$0x3FFC];
	_ =	sdelay $0x3  }
0x95: {  	_ =	strace s4  }
0x96: {  	s4 =	sld [smem:$0x3FFD];
	_ =	sdelay $0x3  }
0x97: {  	_ =	strace s4  }
0x98: {  	_ =	strace $0x8FFFFFFF  }
0x99: {  	s19 =	sld [smem:$0x3FDB];
	_ =	sdelay $0x1  }
0x9a: {  	s5 =	simm.s32 $_scs_section_size  }
0x9b: {  	s6 =	simm.s32 $_size__tile_overlayer_lowered;
	s7 =	simm.s32 $_tile_overlayer_lowered  }
0x9c: {  	s22 =	simm.s32 $0x1BFF;
	s21 =	sshll.u32 s7, $0x1;
	s4 =	sadd.s32 s5, s19  }
0x9d: {  	s8 =	simm.s32 $0x0;
	s20 =	sshll.u32 s6, $0x1;
	s6 =	sadd.s32 s21, s4  }
0x9e: {  	[timem:s8], [sflag:s22] =	dma.local [hbm:s6], s20  }
0x9f: {  	_ =	swait.ge [sflag:s22], s20  }
0xa0: {  	s5 =	ssub.s32 $0x0, s20;
	[sflag:s22] =	ssyncset.done $0x0  }
0xa1: {  	[sflag:s22] =	ssyncadd.s32 s5;
	_ =	sdelay $0x1  }
0xa2: {  	s23 =	simm.s32 $0x1B8B  }
0xa3: {  	_ =	swait.ge [sflag:s23], $0x1  }
0xa4: {  	[sflag:s23] =	ssyncset.done $0x0  }
0xa5: {  	s25 =	simm.s32 $0x1B8E;
	s24 =	sld [smem:$0x3FFE];
	[sflag:s23] =	ssyncadd.s32 $0xFFFFFFFF  }
0xa6: {  	s26 =	simm.s32 $execute0_lowered;
	[smem:$0x3FD2] =	sst s25  }
0xa7: {  	s6 =	sshll.u32 s26, $0x1;
	_ =	strace $0x80000046;
	[dreg:$0x1] =	wrdreg $0xFFFFFFFF  }
0xa8: {  	s28 =	simm.s32 $_size_execute0_lowered;
	s4 =	sadd.s32 s4, s6;
	[dreg:$0x0] =	wrdreg $0x0  }
0xa9: {  	s6 =	sshll.u32 s28, $0x1;
	[dreg:$0x2] =	wrdreg s4  }
0xaa: {  	[dreg:$0x3] =	wrdreg s6  }
0xab: {  	[dreg:$0x4] =	wrdreg $0xC0  }
0xac: {  	_ =	task [dreg:s8], $0x5FFFF  }
0xad: {  	[dreg:$0x1] =	wrdreg $0xFFFFFFFF  }
0xae: {  	[dreg:$0x0] =	wrdreg $0x60  }
0xaf: {  	[dreg:$0x2] =	wrdreg s2  }
0xb0: {  	[dreg:$0x3] =	wrdreg s24  }
0xb1: {  	[dreg:$0x4] =	wrdreg s18  }
0xb2: {  	[dreg:$0x5] =	wrdreg $0x1E4000  }
0xb3: {  	[dreg:$0x6] =	wrdreg $0x1B3000  }
0xb4: {  	[dreg:$0x7] =	wrdreg $0x9  }
0xb5: {  	_ =	task.clear_ibuf [dreg:s8], $0x8FFFF;
	_ =	strace $0x90000046  }
0xb6: {  	s29 =	simm.s32 $0x9;
	_ =	strace $0x80000048  }
0xb7: {  	_ =	swait.ge [sflag:s29], $0x1  }
0xb8: {  	[sflag:s29] =	ssyncadd.s32 $0xFFFFFFFF  }
0xb9: {  	_ =	strace $0x90000048  }
0xba: {  	_ =	sfence  }
0xbb: {  	s30 =	sld [smem:$0x0];
	_ =	sdelay $0x2  }
0xbc: {  	s31 =	sshll.u32 s1, $0xD;
	s1 =	sshrl.u32 s1, $0x2  }
0xbd: {  	s3 =	sand.u32 $0x4000, s31;
	s1 =	sadd.s32 s1, s30  }
0xbe: {  	s0 =	sor.u32 s3, s0;
	s1 =	sshll.u32 s1, $0x11  }
0xbf: {  	s0 =	sor.u32 s1, s0  }
0xc0: {  	s0 =	sadd.s32 $0x8F2B, s0  }
0xc1: {  	[sflag:s0] =	ssyncadd.remote.s32 $0x1  }
0xc2: {  	_ =	sfence.sel $0xFFFF  }
0xc3: {  	[dreg:$0x0] =	wrdreg $0xFFFFFFFF;
	(pc) =	sbr.abs _section_cstart, $3  }
0xc4: {  	[dreg:$0x1] =	wrdreg $0xFFFFFFFF  }
0xc5: {  	_ =	task.clear_ibuf [dreg:s8], $0x2FFFF;
	_ =	strace $0x9FFFFFFF  }
0xc6: {  	(tm) =	ssettm $0x7FFFFFFF  }
0xc7: {  	_ =	shalt  }
tec
execute0_lowered:
.L_overlay_start_1:
0x0: {  	(tag) =	ssettag $0x1  }
0x1: {  	s0 =	rddreg [dreg:$0x1]  }
0x2: {  	s4 =	rddreg [dreg:$0x2]  }
0x3: {  	s5 =	rddreg [dreg:$0x3]  }
0x4: {  	s6 =	rddreg [dreg:$0x4];
	s2 =	srdreg.scid;
	s3 =	simm.s32 $0x0  }
0x5: {  	s29 =	simm.s32 $0x1A700;
	s30 =	simm.s32 $0x1;
	s31 =	simm.s32 $0x80  }
0x6: {  	s7 =	sand.u32 $0x1, s2;
	s2 =	stileid.u32;
	[smem:$0x7FF] =	sst s3  }
0x7: {  	s11 =	sadd.s32 $0x3C00, s0;
	s18 =	sadd.s32 $0xD0000, s4;
	s8 =	smul.u32 $0x68000, s7  }
0x8: {  	s1 =	sshrl.u32 s2, $0x3;
	_ =	strace $0x80000047;
	s9 =	sand.u32 $0x7, s2  }
0x9: {  	[dreg:$0x7] =	wrdreg s11;
	s25 =	ssub.s32 $0x2, s7;
	s7 =	smul.u32 $0x34, s7  }
0xa: {  	[dreg:$0xf] =	wrdreg s18;
	s20 =	sor.u32 $0x8, s2;
	s21 =	smul.u32 $0x6800, s2  }
0xb: {  	s22 =	sor.u32 $0xA, s2;
	s18 =	simm.s32 $0x18700;
	s10 =	smul.u32 $0x62000, s1  }
0xc: {  	s12 =	smul.u32 $0x31000, s9;
	s13 =	sshrl.u32 s25, $0x1;
	s28 =	sshll.u32 s9, $0x7  }
0xd: {  	[dreg:$0x6] =	wrdreg s1;
	s16 =	sshll.u32 s1, $0xF;
	s19 =	smul.u32 $0xC400, s9  }
0xe: {  	p0 =	seq.s32 s9, $0x1;
	p1 =	sgt.u32 s9, $0x1;
	p2 =	sne.s32 s9, $0x0  }
0xf: {  	s24 =	sadd.s32 s8, s0;
	s0 =	sadd.s32 $0x800, s0;
	[dreg:$0xa] =	wrdreg s7  }
0x10: {  	s14 =	sadd.s32 s16, s5;
	[dreg:$0xc] =	wrdreg s28;
	s4 =	sadd.s32 s8, s4  }
0x11: {  	p3 =	sne.s32 @!p0 s9, $0x0;
	[dreg:$0x8] =	wrdreg s0;
	s10 =	sshrl.u32 s10, $0x2  }
0x12: {  	s0 =	ssub.s32 s25, s13;
	s25 =	sadd.s32 $0x18800, s19;
	[dreg:$0x10] =	wrdreg s19  }
0x13: {  	s5 =	simm.s32 $0x0;
	s10 =	sadd.s32 s10, s6;
	[dreg:$0x14] =	wrdreg s25  }
0x14: {  	s26 =	sshrl.u32 s12, $0x2;
	s0 =	smax.u32 s0, $0x1;
	[dreg:$0x9] =	wrdreg s10  }
0x15: {  	s23 =	sadd.s32 s21, s24;
	s6 =	sadd.s32 s26, s10;
	[dreg:$0x11] =	wrdreg s0  }
0x16: {  	s24 =	sor.u32 $0xC, s2;
	s15 =	sadd.s32 $0xC400, s10;
	[dreg:$0xb] =	wrdreg s6  }
0x17: {  	p3 =	por p3, p0;
	s26 =	sadd.s32 $0x31000, s19;
	[dreg:$0xd] =	wrdreg s15  }
0x18: {  	s0 =	smul.u32 $0xC400, s20;
	s17 =	sadd.s32 s28, s15;
	[dreg:$0x16] =	wrdreg s26  }
0x19: {  	s12 =	sadd.s32 s28, s10;
	s15 =	sadd.s32 s28, s14;
	[dreg:$0xe] =	wrdreg s17  }
0x1a: {  	s28 =	sadd.s32 $0x49800, s19;
	[dreg:$0x12] =	wrdreg s0;
	s0 =	smul.u32 $0xC400, s22  }
0x1b: {  	s22 =	sadd.s32 s21, s4;
	s4 =	smul.u32 $0xC400, s24;
	[dreg:$0x17] =	wrdreg s28  }
0x1c: {  	s25 =	sadd.s32 $0x10C00, s23;
	s20 =	sadd.s32 $0xC400, s12;
	[dreg:$0x13] =	wrdreg s0  }
0x1d: {  	[dreg:$0x15] =	wrdreg s4;
	s0 =	simm.s32 $0x400;
	s4 =	simm.s32 $0x19700  }
.LBB2_1:
0x1e: {  	[dreg:$0x18] =	wrdreg s5;
	s26 =	sadd.s32 $0x0, s25  }
0x1f: {  	[tilespmem:s29], [sflag:$0x1] =	stream.linear.gather [hbm4b:s26+s3], $0x800, $0x38;
	[tilespmem:$0x1F400] =	vst v63  }
0x20: {  	_ =	swait.ge [sflag:s30], $0x800  }
0x21: {  	[sflag:s30] =	ssyncset.done $0x0  }
0x22: {  	s28 =	sadd.s32 $0x0, s22;
	[sflag:s30] =	ssyncadd.s32 $0xFFFFF800  }
0x23: {  	[hbm4b:s28+s3] =	stream.linear.scatter [tilespmem:s29], [sflag:$0x1], $0x800, $0x38;
	[tilespmem:$0x1F400] =	vst v63  }
0x24: {  	s6 =	simm.s32 $0x100;
	_ =	swait.ge [sflag:s30], $0x800  }
0x25: {  	s8 =	sadd.s32 $0x100, s25;
	s7 =	simm.s32 $0x200;
	[sflag:s30] =	ssyncset.done $0x0  }
.LBB2_2:
0x26: {  	s9 =	sadd.s32 s7, s25  }
0x27: {  	s5 =	simm.s32 $0x0;
	[sflag:s30] =	ssyncadd.s32 $0xFFFFF800;
	s11 =	smov.u32 s7  }
0x28: {  	[tilespmem:s29], [sflag:$0x1] =	stream.linear.gather [hbm4b:s8+s5], $0x800, $0x38;
	[tilespmem:$0x1F400] =	vst v63  }
0x29: {  	p4 =	sne.s32 s7, $0x6700;
	s7 =	sadd.s32 $0x100, s7;
	_ =	swait.ge [sflag:s30], $0x800  }
.Ltmp0:
0x2a: {  	s8 =	smov.u32 s9;
	[sflag:s30] =	ssyncset.done $0x0;
	(pc) =	sbr.rel @p4 .LBB2_2-.Ltmp0, $4  }
0x2b: {  	s9 =	sadd.s32 s6, s22;
	s6 =	smov.u32 s11;
	[sflag:s30] =	ssyncadd.s32 $0xFFFFF800  }
0x2c: {  	[hbm4b:s9+s5] =	stream.linear.scatter [tilespmem:s29], [sflag:$0x1], $0x800, $0x38;
	[tilespmem:$0x1F400] =	vst v63  }
0x2d: {  	_ =	swait.ge [sflag:s30], $0x800  }
0x2e: {  	[sflag:s30] =	ssyncset.done $0x0  }
0x2f: {  	[sflag:s30] =	ssyncadd.s32 $0xFFFFF800  }
0x30: {  	[tilespmem:s29], [sflag:$0x1] =	stream.linear.gather [hbm4b:s8+s5], $0x800, $0x38;
	[tilespmem:$0x1F400] =	vst v63  }
0x31: {  	_ =	swait.ge [sflag:s30], $0x800  }
0x32: {  	[sflag:s30] =	ssyncset.done $0x0  }
0x33: {  	s6 =	sadd.s32 s6, s22;
	[sflag:s30] =	ssyncadd.s32 $0xFFFFF800  }
0x34: {  	[hbm4b:s6+s5] =	stream.linear.scatter [tilespmem:s29], [sflag:$0x1], $0x800, $0x38;
	[tilespmem:$0x1F400] =	vst v63  }
0x35: {  	_ =	swait.ge [sflag:s30], $0x800  }
0x36: {  	[sflag:s30] =	ssyncset.done $0x0  }
0x37: {  	s6 =	simm.s32 $0x0;
	[sflag:s30] =	ssyncadd.s32 $0xFFFFF800  }
.LBB2_4:
0x38: {  	s8 =	sshll.u32 s6, $0x1;
	[bflag:$0x0] =	sbarrier.arrive @p1 $0xFFFF  }
0x39: {  	s21 =	simm.s32 @p1 $0x80;
	s23 =	simm.s32 @p1 $0x400;
	s7 =	simm.s32 @p1 $0x0  }
0x3a: {  	[tilespmem:s7], [sflag:$0x1] =	stream.strided.gather @p1 [spmem:s12], $0x1880, s23, s21, $0x38;
	[tilespmem:$0x1F400] =	vst v63  }
0x3b: {  	s24 =	simm.s32 @p1 $0x1;
	s13 =	simm.s32 @p1 $0x1880;
	s1 =	rddreg [dreg:$0xa]  }
0x3c: {  	s17 =	sadd.s32 s1, s8;
	s8 =	sand.u32 $0x2, s8;
	_ =	swait.ge @p1 [sflag:s24], $0x1880  }
0x3d: {  	s7 =	sshrl.u32 s17, $0x2;
	s19 =	rddreg [dreg:$0x6];
	[sflag:s24] =	ssyncset.done @p1 $0x0  }
0x3e: {  	s8 =	sor.u32 s19, s8;
	s9 =	smul.u32 $0x30E000, s7;
	[sflag:s24] =	ssyncadd.s32 @p1 $0xFFFFE780  }
0x3f: {  	[tilespmem:s13], [sflag:$0x1] =	stream.strided.gather @p1 [spmem:s20], $0x1880, s23, s21, $0x38;
	[tilespmem:$0x1F400] =	vst v63  }
0x40: {  	s11 =	smul.u32 $0xC3800, s8;
	_ =	swait.ge @p1 [sflag:s24], $0x1880  }
0x41: {  	[sflag:s24] =	ssyncset.done @p1 $0x0  }
0x42: {  	s13 =	sadd.s32 s11, s9;
	s1 =	rddreg [dreg:$0x10];
	[sflag:s24] =	ssyncadd.s32 @p1 $0xFFFFE780  }
0x43: {  	s16 =	sadd.s32 @!p1 s1, s13;
	[bflag:$0x0] =	sbarrier.arrive @p1 $0xFFFF  }
0x44: {  	s16 =	sshrl.u32 @!p1 s16, $0x3;
	s10 =	rddreg [dreg:$0x0]  }
0x45: {  	s17 =	sshll.u32 @!p1 s2, $0x6;
	s1 =	rddreg [dreg:$0xb];
	s26 =	sadd.s32 @!p1 s10, s16  }
0x46: {  	s16 =	sor.u32 @!p1 $0x1C01, s17;
	s19 =	sshrl.u32 @!p1 s1, $0x3;
	s17 =	simm.s32 @!p1 $0x1  }
0x47: {  	[spmem:s19], [sflag:s16] =	dma.local @!p1 [hbm:s26], $0x1880  }
0x48: {  	_ =	swait.ge @!p1 [sflag:s17], $0x1880  }
0x49: {  	[sflag:s17] =	ssyncset.done @!p1 $0x0  }
0x4a: {  	s28 =	simm.s32 @!p1 $0x400;
	[sflag:s17] =	ssyncadd.s32 @!p1 $0xFFFFE780  }
0x4b: {  	s1 =	simm.s32 @!p1 $0x0;
	s26 =	simm.s32 @!p1 $0x80;
	[bflag:$0x0] =	sbarrier.arrive @!p1 $0xFFFF  }
0x4c: {  	[tilespmem:s1], [sflag:$0x1] =	stream.strided.gather @!p1 [spmem:s12], $0x1880, s28, s26, $0x38;
	[tilespmem:$0x1F400] =	vst v63  }
0x4d: {  	_ =	swait.ge @!p1 [sflag:s17], $0x1880  }
0x4e: {  	[sflag:s17] =	ssyncset.done @!p1 $0x0  }
0x4f: {  	s1 =	simm.s32 @!p1 $0x1880;
	[sflag:s17] =	ssyncadd.s32 @!p1 $0xFFFFE780  }
0x50: {  	[tilespmem:s1], [sflag:$0x1] =	stream.strided.gather @!p1 [spmem:s20], $0x1880, s28, s26, $0x38;
	[tilespmem:$0x1F400] =	vst v63  }
0x51: {  	_ =	swait.ge @!p1 [sflag:s17], $0x1880  }
0x52: {  	s1 =	rddreg [dreg:$0x14]  }
0x53: {  	[sflag:s17] =	ssyncset.done @!p1 $0x0;
	s1 =	sadd.s32 @!p1 s1, s13  }
0x54: {  	[sflag:s17] =	ssyncadd.s32 @!p1 $0xFFFFE780;
	s1 =	sshrl.u32 @!p1 s1, $0x3  }
0x55: {  	[bflag:$0x0] =	sbarrier.arrive @!p1 $0xFFFF;
	s1 =	sadd.s32 @!p1 s10, s1  }
0x56: {  	[spmem:s19], [sflag:s16] =	dma.local @!p1 [hbm:s1], $0x1880  }
0x57: {  	_ =	swait.ge @!p1 [sflag:s17], $0x1880  }
0x58: {  	[sflag:s17] =	ssyncset.done @!p1 $0x0  }
0x59: {  	[sflag:s17] =	ssyncadd.s32 @!p1 $0xFFFFE780  }
0x5a: {  	s1 =	simm.s32 $0x3100;
	[bflag:$0x0] =	sbarrier.arrive $0xFFFF  }
0x5b: {  	[tilespmem:s1], [sflag:$0x1] =	stream.strided.gather [spmem:s12], $0x1880, s0, s31, $0x38;
	[tilespmem:$0x1F400] =	vst v63  }
0x5c: {  	_ =	swait.ge [sflag:s30], $0x1880  }
0x5d: {  	[sflag:s30] =	ssyncset.done $0x0  }
0x5e: {  	s1 =	simm.s32 $0x4980;
	[sflag:s30] =	ssyncadd.s32 $0xFFFFE780  }
0x5f: {  	[tilespmem:s1], [sflag:$0x1] =	stream.strided.gather [spmem:s20], $0x1880, s0, s31, $0x38;
	[tilespmem:$0x1F400] =	vst v63  }
0x60: {  	_ =	swait.ge [sflag:s30], $0x1880  }
0x61: {  	[sflag:s30] =	ssyncset.done $0x0  }
0x62: {  	[sflag:s30] =	ssyncadd.s32 $0xFFFFE780  }
0x63: {  	[bflag:$0x0] =	sbarrier.arrive $0xFFFF  }
0x64: {  	s1 =	simm.s32 @p1 $0x6200;
	[bflag:$0x0] =	sbarrier.arrive @p1 $0xFFFF  }
0x65: {  	[tilespmem:s1], [sflag:$0x1] =	stream.strided.gather @p1 [spmem:s12], $0x1880, s23, s21, $0x38;
	[tilespmem:$0x1F400] =	vst v63  }
0x66: {  	_ =	swait.ge @p1 [sflag:s24], $0x1880  }
0x67: {  	[sflag:s24] =	ssyncset.done @p1 $0x0  }
0x68: {  	s1 =	simm.s32 @p1 $0x7A80;
	[sflag:s24] =	ssyncadd.s32 @p1 $0xFFFFE780  }
0x69: {  	[tilespmem:s1], [sflag:$0x1] =	stream.strided.gather @p1 [spmem:s20], $0x1880, s23, s21, $0x38;
	[tilespmem:$0x1F400] =	vst v63  }
0x6a: {  	_ =	swait.ge @p1 [sflag:s24], $0x1880  }
0x6b: {  	s1 =	rddreg [dreg:$0x16]  }
0x6c: {  	[sflag:s24] =	ssyncset.done @p1 $0x0;
	s1 =	sadd.s32 @!p1 s1, s13  }
0x6d: {  	[sflag:s24] =	ssyncadd.s32 @p1 $0xFFFFE780;
	s1 =	sshrl.u32 @!p1 s1, $0x3  }
0x6e: {  	[bflag:$0x0] =	sbarrier.arrive @p1 $0xFFFF;
	s1 =	sadd.s32 @!p1 s10, s1  }
0x6f: {  	[spmem:s19], [sflag:s16] =	dma.local @!p1 [hbm:s1], $0x1880  }
0x70: {  	_ =	swait.ge @!p1 [sflag:s17], $0x1880  }
0x71: {  	[sflag:s17] =	ssyncset.done @!p1 $0x0  }
0x72: {  	[sflag:s17] =	ssyncadd.s32 @!p1 $0xFFFFE780  }
0x73: {  	s1 =	simm.s32 @!p1 $0x6200;
	[bflag:$0x0] =	sbarrier.arrive @!p1 $0xFFFF  }
0x74: {  	[tilespmem:s1], [sflag:$0x1] =	stream.strided.gather @!p1 [spmem:s12], $0x1880, s28, s26, $0x38;
	[tilespmem:$0x1F400] =	vst v63  }
0x75: {  	_ =	swait.ge @!p1 [sflag:s17], $0x1880  }
0x76: {  	[sflag:s17] =	ssyncset.done @!p1 $0x0  }
0x77: {  	s1 =	simm.s32 @!p1 $0x7A80;
	[sflag:s17] =	ssyncadd.s32 @!p1 $0xFFFFE780  }
0x78: {  	[tilespmem:s1], [sflag:$0x1] =	stream.strided.gather @!p1 [spmem:s20], $0x1880, s28, s26, $0x38;
	[tilespmem:$0x1F400] =	vst v63  }
0x79: {  	_ =	swait.ge @!p1 [sflag:s17], $0x1880  }
0x7a: {  	s1 =	rddreg [dreg:$0x17]  }
0x7b: {  	[sflag:s17] =	ssyncset.done @!p1 $0x0;
	s1 =	sadd.s32 @!p1 s1, s13  }
0x7c: {  	[sflag:s17] =	ssyncadd.s32 @!p1 $0xFFFFE780;
	s1 =	sshrl.u32 @!p1 s1, $0x3  }
0x7d: {  	[bflag:$0x0] =	sbarrier.arrive @!p1 $0xFFFF;
	s1 =	sadd.s32 @!p1 s10, s1  }
0x7e: {  	[spmem:s19], [sflag:s16] =	dma.local @!p1 [hbm:s1], $0x1880  }
0x7f: {  	_ =	swait.ge @!p1 [sflag:s17], $0x1880  }
0x80: {  	[sflag:s17] =	ssyncset.done @!p1 $0x0  }
0x81: {  	[sflag:s17] =	ssyncadd.s32 @!p1 $0xFFFFE780  }
0x82: {  	s1 =	simm.s32 $0x9300;
	[bflag:$0x0] =	sbarrier.arrive $0xFFFF  }
0x83: {  	[tilespmem:s1], [sflag:$0x1] =	stream.strided.gather [spmem:s12], $0x1880, s0, s31, $0x38;
	[tilespmem:$0x1F400] =	vst v63  }
0x84: {  	_ =	swait.ge [sflag:s30], $0x1880  }
0x85: {  	[sflag:s30] =	ssyncset.done $0x0  }
0x86: {  	s1 =	simm.s32 $0xAB80;
	[sflag:s30] =	ssyncadd.s32 $0xFFFFE780  }
0x87: {  	[tilespmem:s1], [sflag:$0x1] =	stream.strided.gather [spmem:s20], $0x1880, s0, s31, $0x38;
	[tilespmem:$0x1F400] =	vst v63  }
0x88: {  	_ =	swait.ge [sflag:s30], $0x1880  }
0x89: {  	[sflag:s30] =	ssyncset.done $0x0  }
0x8a: {  	[sflag:s30] =	ssyncadd.s32 $0xFFFFE780  }
0x8b: {  	[bflag:$0x0] =	sbarrier.arrive $0xFFFF  }
0x8c: {  	s1 =	simm.s32 @p1 $0xC400;
	[bflag:$0x0] =	sbarrier.arrive @p1 $0xFFFF  }
0x8d: {  	[tilespmem:s1], [sflag:$0x1] =	stream.strided.gather @p1 [spmem:s12], $0x1880, s23, s21, $0x38;
	[tilespmem:$0x1F400] =	vst v63  }
0x8e: {  	_ =	swait.ge @p1 [sflag:s24], $0x1880  }
0x8f: {  	[sflag:s24] =	ssyncset.done @p1 $0x0  }
0x90: {  	s1 =	simm.s32 @p1 $0xDC80;
	[sflag:s24] =	ssyncadd.s32 @p1 $0xFFFFE780  }
0x91: {  	[tilespmem:s1], [sflag:$0x1] =	stream.strided.gather @p1 [spmem:s20], $0x1880, s23, s21, $0x38;
	[tilespmem:$0x1F400] =	vst v63  }
0x92: {  	_ =	swait.ge @p1 [sflag:s24], $0x1880  }
0x93: {  	s1 =	rddreg [dreg:$0x12]  }
0x94: {  	[sflag:s24] =	ssyncset.done @p1 $0x0;
	s1 =	sadd.s32 @!p1 s1, s13  }
0x95: {  	[sflag:s24] =	ssyncadd.s32 @p1 $0xFFFFE780;
	s1 =	sshrl.u32 @!p1 s1, $0x3  }
0x96: {  	[bflag:$0x0] =	sbarrier.arrive @p1 $0xFFFF;
	s1 =	sadd.s32 @!p1 s10, s1  }
0x97: {  	[spmem:s19], [sflag:s16] =	dma.local @!p1 [hbm:s1], $0x1880  }
0x98: {  	_ =	swait.ge @!p1 [sflag:s17], $0x1880  }
0x99: {  	[sflag:s17] =	ssyncset.done @!p1 $0x0  }
0x9a: {  	[sflag:s17] =	ssyncadd.s32 @!p1 $0xFFFFE780  }
0x9b: {  	s1 =	simm.s32 @!p1 $0xC400;
	[bflag:$0x0] =	sbarrier.arrive @!p1 $0xFFFF  }
0x9c: {  	[tilespmem:s1], [sflag:$0x1] =	stream.strided.gather @!p1 [spmem:s12], $0x1880, s28, s26, $0x38;
	[tilespmem:$0x1F400] =	vst v63  }
0x9d: {  	_ =	swait.ge @!p1 [sflag:s17], $0x1880  }
0x9e: {  	[sflag:s17] =	ssyncset.done @!p1 $0x0  }
0x9f: {  	s1 =	simm.s32 @!p1 $0xDC80;
	[sflag:s17] =	ssyncadd.s32 @!p1 $0xFFFFE780  }
0xa0: {  	[tilespmem:s1], [sflag:$0x1] =	stream.strided.gather @!p1 [spmem:s20], $0x1880, s28, s26, $0x38;
	[tilespmem:$0x1F400] =	vst v63  }
0xa1: {  	_ =	swait.ge @!p1 [sflag:s17], $0x1880  }
0xa2: {  	s1 =	rddreg [dreg:$0x13]  }
0xa3: {  	[sflag:s17] =	ssyncset.done @!p1 $0x0;
	s1 =	sadd.s32 @!p1 s1, s13  }
0xa4: {  	[sflag:s17] =	ssyncadd.s32 @!p1 $0xFFFFE780;
	s1 =	sshrl.u32 @!p1 s1, $0x3  }
0xa5: {  	[bflag:$0x0] =	sbarrier.arrive @!p1 $0xFFFF;
	s1 =	sadd.s32 @!p1 s10, s1  }
0xa6: {  	[spmem:s19], [sflag:s16] =	dma.local @!p1 [hbm:s1], $0x1880  }
0xa7: {  	_ =	swait.ge @!p1 [sflag:s17], $0x1880  }
0xa8: {  	[sflag:s17] =	ssyncset.done @!p1 $0x0  }
0xa9: {  	[sflag:s17] =	ssyncadd.s32 @!p1 $0xFFFFE780  }
0xaa: {  	s23 =	simm.s32 $0xF500;
	[bflag:$0x0] =	sbarrier.arrive $0xFFFF  }
0xab: {  	[tilespmem:s23], [sflag:$0x1] =	stream.strided.gather [spmem:s12], $0x1880, s0, s31, $0x38;
	[tilespmem:$0x1F400] =	vst v63  }
0xac: {  	_ =	swait.ge [sflag:s30], $0x1880  }
0xad: {  	[sflag:s30] =	ssyncset.done $0x0  }
0xae: {  	s24 =	simm.s32 $0x10D80;
	[sflag:s30] =	ssyncadd.s32 $0xFFFFE780  }
0xaf: {  	[tilespmem:s24], [sflag:$0x1] =	stream.strided.gather [spmem:s20], $0x1880, s0, s31, $0x38;
	[tilespmem:$0x1F400] =	vst v63  }
0xb0: {  	_ =	swait.ge [sflag:s30], $0x1880  }
0xb1: {  	s1 =	rddreg [dreg:$0x15]  }
0xb2: {  	[sflag:s30] =	ssyncset.done $0x0;
	s1 =	sadd.s32 @!p1 s1, s13  }
0xb3: {  	[sflag:s30] =	ssyncadd.s32 $0xFFFFE780;
	s1 =	sshrl.u32 @!p1 s1, $0x3  }
0xb4: {  	[bflag:$0x0] =	sbarrier.arrive $0xFFFF;
	s1 =	sadd.s32 @!p1 s10, s1  }
0xb5: {  	[spmem:s19], [sflag:s16] =	dma.local @!p1 [hbm:s1], $0x1880  }
0xb6: {  	_ =	swait.ge @!p1 [sflag:s17], $0x1880  }
0xb7: {  	[sflag:s17] =	ssyncset.done @!p1 $0x0  }
0xb8: {  	[sflag:s17] =	ssyncadd.s32 @!p1 $0xFFFFE780  }
0xb9: {  	s26 =	simm.s32 $0x12600;
	[bflag:$0x0] =	sbarrier.arrive $0xFFFF  }
0xba: {  	[tilespmem:s26], [sflag:$0x1] =	stream.strided.gather [spmem:s12], $0x1880, s0, s31, $0x38;
	[tilespmem:$0x1F400] =	vst v63  }
0xbb: {  	_ =	swait.ge [sflag:s30], $0x1880  }
0xbc: {  	[sflag:s30] =	ssyncset.done $0x0  }
0xbd: {  	s28 =	simm.s32 $0x13E80;
	[sflag:s30] =	ssyncadd.s32 $0xFFFFE780  }
0xbe: {  	[tilespmem:s28], [sflag:$0x1] =	stream.strided.gather [spmem:s20], $0x1880, s0, s31, $0x38;
	[tilespmem:$0x1F400] =	vst v63  }
0xbf: {  	_ =	swait.ge [sflag:s30], $0x1880  }
0xc0: {  	[sflag:s30] =	ssyncset.done $0x0  }
0xc1: {  	s1 =	sadd.s32 @p0 s9, s11;
	[sflag:s30] =	ssyncadd.s32 $0xFFFFE780  }
0xc2: {  	s1 =	sshrl.u32 @p0 s1, $0x3;
	[bflag:$0x0] =	sbarrier.arrive $0xFFFF  }
0xc3: {  	s13 =	sshll.u32 @p0 s2, $0x6;
	s1 =	sadd.s32 @p0 s10, s1;
	s16 =	rddreg [dreg:$0xd]  }
0xc4: {  	s13 =	sor.u32 @p0 $0x1C01, s13;
	s1 =	sadd.s32 @p0 $0x16F80, s1;
	s16 =	sshrl.u32 @p0 s16, $0x3  }
0xc5: {  	[spmem:s16], [sflag:s13] =	dma.local @p0 [hbm:s1], $0x1700  }
0xc6: {  	s1 =	simm.s32 @p0 $0x1  }
0xc7: {  	_ =	swait.ge @p0 [sflag:s1], $0x1700  }
0xc8: {  	s9 =	sadd.s32 @!p3 s9, s11;
	[sflag:s1] =	ssyncset.done @p0 $0x0  }
0xc9: {  	s9 =	sshrl.u32 @!p3 s9, $0x3;
	[sflag:s1] =	ssyncadd.s32 @p0 $0xFFFFE900  }
0xca: {  	s1 =	sadd.s32 @!p3 s10, s9;
	s9 =	sshll.u32 @!p3 s2, $0x6;
	s10 =	rddreg [dreg:$0x9]  }
0xcb: {  	s1 =	sadd.s32 @!p3 $0x15700, s1;
	s9 =	sor.u32 @!p3 $0x1C01, s9;
	s11 =	sshrl.u32 @!p3 s10, $0x3  }
0xcc: {  	[spmem:s11], [sflag:s9] =	dma.local @!p3 [hbm:s1], $0x1880  }
0xcd: {  	s1 =	simm.s32 @!p3 $0x1  }
0xce: {  	_ =	swait.ge @!p3 [sflag:s1], $0x1880  }
0xcf: {  	[sflag:s1] =	ssyncset.done @!p3 $0x0  }
0xd0: {  	[sflag:s1] =	ssyncadd.s32 @!p3 $0xFFFFE780  }
0xd1: {  	s10 =	simm.s32 $0x15700;
	[bflag:$0x0] =	sbarrier.arrive $0xFFFF  }
0xd2: {  	[tilespmem:s10], [sflag:$0x1] =	stream.strided.gather [spmem:s12], $0x1880, s0, s31, $0x38;
	[tilespmem:$0x1F400] =	vst v63  }
0xd3: {  	_ =	swait.ge [sflag:s30], $0x1880  }
0xd4: {  	[sflag:s30] =	ssyncset.done $0x0  }
0xd5: {  	s13 =	simm.s32 $0x16F80;
	s11 =	rddreg [dreg:$0xe];
	[sflag:s30] =	ssyncadd.s32 $0xFFFFE780  }
0xd6: {  	[tilespmem:s13], [sflag:$0x1] =	stream.strided.gather [spmem:s11], $0x1700, s0, s31, $0x38;
	[tilespmem:$0x1F400] =	vst v63  }
0xd7: {  	_ =	swait.ge [sflag:s30], $0x1700  }
0xd8: {  	s16 =	sshll.u32 s8, $0x7;
	s19 =	rddreg [dreg:$0x8]  }
0xd9: {  	s17 =	sshll.u32 s7, $0x9;
	[sflag:s30] =	ssyncset.done $0x0;
	s1 =	sadd.s32 s19, s16  }
0xda: {  	s21 =	simm.s32 $0x1AF00;
	[sflag:s30] =	ssyncadd.s32 $0xFFFFE900;
	s1 =	sadd.s32 s17, s1  }
0xdb: {  	[tilespmem:s21], [sflag:$0x1] =	stream.linear.gather [hbm4b:s1+s5], $0x400, $0x38;
	[tilespmem:$0x1F400] =	vst v63  }
0xdc: {  	_ =	swait.ge [sflag:s30], $0x400  }
0xdd: {  	[sflag:s30] =	ssyncset.done $0x0  }
0xde: {  	s23 =	rddreg [dreg:$0xc];
	[sflag:s30] =	ssyncadd.s32 $0xFFFFFC00  }
0xdf: {  	v0 =	vld [tilespmem:s23+$0x1AF00];
	_ =	sdelay $0x4  }
0xe0: {  	[tilespmem:$0x18680] =	vst v0  }
0xe1: {  	v0 =	vld [tilespmem:s23+$0x1AF10];
	_ =	sdelay $0x4  }
0xe2: {  	[tilespmem:$0x18690] =	vst v0  }
0xe3: {  	v0 =	vld [tilespmem:s23+$0x1AF20];
	_ =	sdelay $0x4  }
0xe4: {  	[tilespmem:$0x186A0] =	vst v0  }
0xe5: {  	v0 =	vld [tilespmem:s23+$0x1AF30];
	_ =	sdelay $0x4  }
0xe6: {  	[tilespmem:$0x186B0] =	vst v0  }
0xe7: {  	v0 =	vld [tilespmem:s23+$0x1AF40];
	_ =	sdelay $0x4  }
0xe8: {  	[tilespmem:$0x186C0] =	vst v0  }
0xe9: {  	v0 =	vld [tilespmem:s23+$0x1AF50];
	_ =	sdelay $0x4  }
0xea: {  	[tilespmem:$0x186D0] =	vst v0  }
0xeb: {  	v0 =	vld [tilespmem:s23+$0x1AF60];
	_ =	sdelay $0x4  }
0xec: {  	[tilespmem:$0x186E0] =	vst v0  }
0xed: {  	v0 =	vld [tilespmem:s23+$0x1AF70];
	_ =	sdelay $0x2  }
0xee: {  	s24 =	sshll.u32 s7, $0x10;
	s7 =	sshll.u32 s7, $0xB;
	s26 =	rddreg [dreg:$0xf]  }
0xef: {  	s8 =	sshll.u32 s8, $0xE;
	s28 =	rddreg [dreg:$0x7];
	s1 =	sadd.s32 s24, s26  }
0xf0: {  	s9 =	simm.s32 $0x0;
	s7 =	sadd.s32 s28, s7;
	s8 =	sadd.s32 s8, s1;
	[tilespmem:$0x186F0] =	vst v0  }
.LBB2_5:
0xf1: {  	s1 =	sshll.u32 s9, $0x9  }
0xf2: {  	s11 =	simm.s32 $0x0;
	s1 =	sadd.s32 s1, s7  }
0xf3: {  	[tilespmem:s18], [sflag:$0x1] =	stream.linear.gather [hbm4b:s1+s11], $0x1000, $0x38;
	[tilespmem:$0x1F400] =	vst v63  }
0xf4: {  	_ =	swait.ge [sflag:s30], $0x1000  }
0xf5: {  	[sflag:s30] =	ssyncset.done $0x0  }
0xf6: {  	s11 =	simm.s32 $0x0;
	[sflag:s30] =	ssyncadd.s32 $0xFFFFF000  }
0xf7: {  	v0 =	vld [tilespmem:s11+$0x18700];
	_ =	sdelay $0x5  }
0xf8: {  	v1 =	vld [tilespmem:s11+$0x18710];
	_ =	sdelay $0x1  }
0xf9: {  	v0 =	vld.idx.msk [tilespmem:v0+s3+$0x0], $0xffff;
	_ =	sdelay $0x4  }
0xfa: {  	[tilespmem:s11+$0x19700] =	vst v0;
	v0 =	vld [tilespmem:s11+$0x18720]  }
0xfb: {  	v1 =	vld.idx.msk [tilespmem:v1+s3+$0x0], $0xffff;
	_ =	sdelay $0x4  }
0xfc: {  	[tilespmem:s11+$0x19710] =	vst v1;
	v1 =	vld [tilespmem:s11+$0x18730];
	_ =	sdelay $0x1  }
0xfd: {  	v0 =	vld.idx.msk [tilespmem:v0+s3+$0x0], $0xffff;
	_ =	sdelay $0x4  }
0xfe: {  	[tilespmem:s11+$0x19720] =	vst v0;
	v0 =	vld [tilespmem:s11+$0x18740]  }
0xff: {  	v1 =	vld.idx.msk [tilespmem:v1+s3+$0x0], $0xffff;
	_ =	sdelay $0x4  }
0x100: {  	[tilespmem:s11+$0x19730] =	vst v1;
	v1 =	vld [tilespmem:s11+$0x18750];
	_ =	sdelay $0x1  }
0x101: {  	v0 =	vld.idx.msk [tilespmem:v0+s3+$0x0], $0xffff;
	_ =	sdelay $0x4  }
0x102: {  	v2 =	vld [tilespmem:s11+$0x18760];
	[tilespmem:s11+$0x19740] =	vst v0  }
0x103: {  	v0 =	vld.idx.msk [tilespmem:v1+s3+$0x0], $0xffff;
	_ =	sdelay $0x4  }
0x104: {  	[tilespmem:s11+$0x19750] =	vst v0;
	v0 =	vld [tilespmem:s11+$0x18770];
	_ =	sdelay $0x1  }
0x105: {  	v1 =	vld.idx.msk [tilespmem:v2+s3+$0x0], $0xffff;
	_ =	sdelay $0x3  }
0x106: {  	s16 =	simm.s32 $0x80;
	s13 =	simm.s32 $0x400  }
.LBB2_6:
0x107: {  	p4 =	sne.s32 s13, $0x3E00;
	v2 =	vld [tilespmem:s16+$0x18700];
	[tilespmem:s11+$0x19760] =	vst v1  }
0x108: {  	v0 =	vld.idx.msk [tilespmem:v0+s3+$0x0], $0xffff;
	_ =	sdelay $0x5  }
0x109: {  	v1 =	vld [tilespmem:s16+$0x18710];
	[tilespmem:s11+$0x19770] =	vst v0;
	s11 =	smov.u32 s16  }
0x10a: {  	v0 =	vld.idx.msk [tilespmem:v2+s3+$0x0], $0xffff;
	_ =	sdelay $0x5  }
0x10b: {  	[tilespmem:s11+$0x19700] =	vst v0;
	v0 =	vld [tilespmem:s11+$0x18720]  }
0x10c: {  	v1 =	vld.idx.msk [tilespmem:v1+s3+$0x0], $0xffff;
	_ =	sdelay $0x5  }
0x10d: {  	[tilespmem:s11+$0x19710] =	vst v1;
	v1 =	vld [tilespmem:s11+$0x18730]  }
0x10e: {  	v0 =	vld.idx.msk [tilespmem:v0+s3+$0x0], $0xffff;
	_ =	sdelay $0x5  }
0x10f: {  	[tilespmem:s11+$0x19720] =	vst v0;
	v0 =	vld [tilespmem:s11+$0x18740]  }
0x110: {  	v1 =	vld.idx.msk [tilespmem:v1+s3+$0x0], $0xffff;
	_ =	sdelay $0x5  }
0x111: {  	[tilespmem:s11+$0x19730] =	vst v1;
	v1 =	vld [tilespmem:s11+$0x18750]  }
0x112: {  	v0 =	vld.idx.msk [tilespmem:v0+s3+$0x0], $0xffff;
	_ =	sdelay $0x5  }
0x113: {  	[tilespmem:s11+$0x19740] =	vst v0;
	v2 =	vld [tilespmem:s11+$0x18760]  }
0x114: {  	v0 =	vld.idx.msk [tilespmem:v1+s3+$0x0], $0xffff;
	_ =	sdelay $0x5  }
0x115: {  	[tilespmem:s11+$0x19750] =	vst v0;
	v0 =	vld [tilespmem:s11+$0x18770]  }
0x116: {  	v1 =	vld.idx.msk [tilespmem:v2+s3+$0x0], $0xffff  }
.Ltmp1:
0x117: {  	(pc) =	sbr.rel @p4 .LBB2_6-.Ltmp1, $2  }
0x118: {  	_ =	sdelay $0x2  }
0x119: {  	s16 =	sshra.s32 s13, $0x2;
	s13 =	sadd.s32 $0x200, s13  }
0x11a: {  	_ =	sdelay $0x1  }
0x11b: {  	v2 =	vld [tilespmem:s16+$0x18700]  }
0x11c: {  	[tilespmem:s11+$0x19760] =	vst v1  }
0x11d: {  	v0 =	vld.idx.msk [tilespmem:v0+s3+$0x0], $0xffff;
	_ =	sdelay $0x3  }
0x11e: {  	v1 =	vld [tilespmem:s16+$0x18710]  }
0x11f: {  	[tilespmem:s11+$0x19770] =	vst v0  }
0x120: {  	v0 =	vld.idx.msk [tilespmem:v2+s3+$0x0], $0xffff;
	_ =	sdelay $0x3  }
0x121: {  	v58 =	vld [tilespmem:s16+$0x18720]  }
0x122: {  	[tilespmem:s16+$0x19700] =	vst v0  }
0x123: {  	v1 =	vld.idx.msk [tilespmem:v1+s3+$0x0], $0xffff;
	_ =	sdelay $0x3  }
0x124: {  	v59 =	vld [tilespmem:s16+$0x18730]  }
0x125: {  	[tilespmem:s16+$0x19710] =	vst v1  }
0x126: {  	v0 =	vld.idx.msk [tilespmem:v58+s3+$0x0], $0xffff;
	_ =	sdelay $0x3  }
0x127: {  	v60 =	vld [tilespmem:s16+$0x18740]  }
0x128: {  	[tilespmem:s16+$0x19720] =	vst v0  }
0x129: {  	v1 =	vld.idx.msk [tilespmem:v59+s3+$0x0], $0xffff;
	_ =	sdelay $0x3  }
0x12a: {  	v61 =	vld [tilespmem:s16+$0x18750]  }
0x12b: {  	[tilespmem:s16+$0x19730] =	vst v1  }
0x12c: {  	v0 =	vld.idx.msk [tilespmem:v60+s3+$0x0], $0xffff;
	_ =	sdelay $0x3  }
0x12d: {  	v62 =	vld [tilespmem:s16+$0x18760]  }
0x12e: {  	[tilespmem:s16+$0x19740] =	vst v0  }
0x12f: {  	v1 =	vld.idx.msk [tilespmem:v61+s3+$0x0], $0xffff;
	_ =	sdelay $0x3  }
0x130: {  	v63 =	vld [tilespmem:s16+$0x18770]  }
0x131: {  	[tilespmem:s16+$0x19750] =	vst v1  }
0x132: {  	v0 =	vld.idx.msk [tilespmem:v62+s3+$0x0], $0xffff;
	_ =	sdelay $0x4  }
0x133: {  	[tilespmem:s16+$0x19760] =	vst v0  }
0x134: {  	v0 =	vld.idx.msk [tilespmem:v63+s3+$0x0], $0xffff;
	_ =	sdelay $0x4  }
0x135: {  	[tilespmem:s16+$0x19770] =	vst v0  }
0x136: {  	[spmem:s15] =	stream.strided.scatter [tilespmem:s4], [sflag:$0x1], $0x1000, s0, s31, $0x38;
	[tilespmem:$0x1F400] =	vst v63  }
0x137: {  	_ =	swait.ge [sflag:s30], $0x1000  }
0x138: {  	s1 =	sshll.u32 @!p2 s9, $0xC;
	s13 =	sshrl.u32 @!p2 s14, $0x3;
	[sflag:s30] =	ssyncset.done $0x0  }
0x139: {  	s9 =	sadd.s32 $0x1, s9;
	s11 =	sshll.u32 @!p2 s2, $0x6;
	[sflag:s30] =	ssyncadd.s32 $0xFFFFF000  }
0x13a: {  	s1 =	sadd.s32 @!p2 s1, s8;
	s11 =	sor.u32 @!p2 $0x1C01, s11;
	[bflag:$0x0] =	sbarrier.arrive $0xFFFF  }
0x13b: {  	[hbm:s1], [sflag:s11] =	dma.local @!p2 [spmem:s13], $0x1000  }
0x13c: {  	p4 =	sne.s32 s9, $0x4;
	s1 =	simm.s32 @!p2 $0x1  }
.Ltmp2:
0x13d: {  	_ =	swait.ge @!p2 [sflag:s1], $0x1000;
	(pc) =	sbr.rel @p4 .LBB2_5-.Ltmp2, $3  }
0x13e: {  	[sflag:s1] =	ssyncset.done @!p2 $0x0  }
0x13f: {  	[sflag:s1] =	ssyncadd.s32 @!p2 $0xFFFFF000  }
0x140: {  	[bflag:$0x0] =	sbarrier.arrive $0xFFFF;
	_ =	sdelay $0x1  }
0x141: {  	s6 =	sadd.s32 $0x1, s6  }
0x142: {  	p4 =	sne.s32 s6, $0x1A  }
.Ltmp3:
0x143: {  	_ = 	snop;
	(pc) =	sbr.rel @p4 .LBB2_4-.Ltmp3, $1  }
0x144: {  	_ =	sdelay $0x3  }
0x145: {  	s5 =	rddreg [dreg:$0x18]  }
0x146: {  	s1 =	rddreg [dreg:$0x11];
	s5 =	sadd.s32 $0x1, s5  }
0x147: {  	p4 =	sne.s32 s5, s1  }
.Ltmp4:
0x148: {  	_ = 	snop;
	(pc) =	sbr.rel @p4 .LBB2_1-.Ltmp4, $1  }
0x149: {  	_ =	sdelay $0x3  }
0x14a: {  	_ =	sfence.sel $0x180000  }
0x14b: {  	[bflag:$0x0] =	sbarrier.arrive $0xFFFF  }
0x14c: {  	_ =	strace $0x90000047  }
0x14d: {  	[bflag:$0x2] =	sbarrier.arrive $0xFFFF  }
0x14e: {  	p0 =	sne.s32 s2, $0x0;
	s0 =	rddreg [dreg:$0x5]  }
0x14f: {  	s0 =	sadd.s32 @!p0 $0x100000, s0  }
0x150: {  	[sflag:s0] =	ssyncadd.tile.s32 @!p0 $0x1;
	_ =	shalt  }
.Lfunc_end2:
_tile_overlayer_lowered:
.L_overlay_start_2:
0x151: {  	(tag) =	ssettag $0x2  }
0x152: {  	s0 =	rddreg [dreg:$0x0];
	s2 =	stileid.u32  }
0x153: {  	s1 =	rddreg [dreg:$0x1];
	p0 =	sne.s32 s2, $0x0  }
0x154: {  	s3 =	rddreg [dreg:$0x2];
	[bflag:$0x3] =	sbarrier.arrive $0xFFFF;
	s2 =	simm.s32 @!p0 $0x1C01  }
0x155: {  	[timem:s3], [sflag:s2] =	dma.local @!p0 [hbm:s0], s1  }
0x156: {  	s0 =	simm.s32 @!p0 $0x1  }
0x157: {  	_ =	swait.ge @!p0 [sflag:s0], s1  }
0x158: {  	s1 =	ssub.s32 @!p0 $0x0, s1;
	[sflag:s0] =	ssyncset.done @!p0 $0x0  }
0x159: {  	[sflag:s0] =	ssyncadd.s32 @!p0 s1  }
0x15a: {  	[bflag:$0x3] =	sbarrier.arrive $0xFFFF  }
0x15b: {  	_ =	shalt  }

</sc_bundles>
